<compile_context>
chip_gen: v7x
topology: tpu7x:2x2x1
jax: 0.10.2.dev20260603
libtpu: 0.0.44.dev20260713+nightly
codegen_flags: <defaults>
</compile_context>

<pallas_src>
import functools

import jax
import jax.numpy as jnp
from jax import lax
from jax.experimental import pallas as pl
from jax.experimental.pallas import tpu as pltpu
from jax.experimental.pallas import tpu_sc as plsc

N_NODES = 10000
N_CTX = 10000
N_EDGES = 320000
D = 128
L = 16

N_TILES = 16
CHUNK = 128
IDX_BLK = 16
N_BLKS = 10
STEPS = IDX_BLK * N_BLKS
EDGES_PER_TILE = CHUNK * STEPS
E_PAD = EDGES_PER_TILE * N_TILES
IDX_ROWS = E_PAD // CHUNK
ACC_ROWS = 10112
ROWS_PER_TILE = ACC_ROWS // N_TILES
FULL = ROWS_PER_TILE // CHUNK
REM = ROWS_PER_TILE % CHUNK
HIST = 10240

def _lane_masks():
    iota = lax.iota(jnp.int32, L)
    return [iota == i for i in range(L)]


def _sc_segment_sums(x2, src2, dst2, zrow):
    mesh = plsc.VectorSubcoreMesh(core_axis_name="c", subcore_axis_name="s")

    @functools.partial(
        pl.kernel,
        mesh=mesh,
        compiler_params=pltpu.CompilerParams(needs_layout_passes=False),
        out_type=[
            jax.ShapeDtypeStruct((2, ACC_ROWS, D), jnp.float32),
            jax.ShapeDtypeStruct((2, N_TILES, HIST), jnp.float32),
        ],
        scratch_types=[
            pltpu.VMEM((IDX_BLK, CHUNK), jnp.int32),
            pltpu.VMEM((IDX_BLK, CHUNK), jnp.int32),
            pltpu.VMEM((1, CHUNK), jnp.int32),
            pltpu.VMEM((CHUNK, D), jnp.float32),
            pltpu.VMEM((CHUNK, D), jnp.float32),
            pltpu.VMEM((HIST,), jnp.float32),
            pltpu.VMEM_SHARED((ACC_ROWS, D), jnp.float32),
            pltpu.SemaphoreType.DMA,
            pltpu.SemaphoreType.DMA,
            pltpu.SemaphoreType.DMA,
            pltpu.SemaphoreType.DMA,
        ],
    )
    def k(x_h, src_h, dst_h, zrow_h, sum_h, cnt_h,
          src_t, dst_t, srcn_t, rows0, rows1, hist_t, acc_s,
          sem0, sem1, sem2, sem3):
        g = lax.axis_index("c")
        s = lax.axis_index("s")
        row0 = s * ROWS_PER_TILE

        pltpu.sync_copy(zrow_h, rows0)
        for kk in range(FULL):
            pltpu.sync_copy(rows0, acc_s.at[pl.ds(row0 + kk * CHUNK, CHUNK)])
        pltpu.sync_copy(rows0.at[pl.ds(0, REM)],
                        acc_s.at[pl.ds(row0 + FULL * CHUNK, REM)])

        zv = jnp.zeros((L,), jnp.float32)

        def zero_hist(i, carry):
            hist_t[pl.ds(i * L, L)] = zv
            return carry

        lax.fori_loop(0, HIST // L, zero_hist, 0)
        plsc.subcore_barrier()

        lanes = _lane_masks()
        onesv = jnp.ones((L,), jnp.float32)

        def count_row(j):
            def one(lane, carry):
                d = dst_t[j, pl.ds(lane * L, L)]
                for i in range(L):
                    plsc.addupdate_scatter(hist_t, [d], onesv, mask=lanes[i])
                return carry
            lax.fori_loop(0, CHUNK // L, one, 0)

        def wait_gather(j, rows, sem):
            pltpu.make_async_copy(x_h.at[src_t.at[j]], rows, sem).wait()

        def wait_scatter(j, rows, sem):
            pltpu.make_async_copy(rows, acc_s.at[dst_t.at[j]], sem).wait()

        base0 = g * IDX_ROWS + s * STEPS
        pltpu.sync_copy(src_h.at[pl.ds(base0, 1)], srcn_t)
        pltpu.async_copy(x_h.at[srcn_t.at[0]], rows0, sem0)

        def outer(blk, carry):
            base = base0 + blk * IDX_BLK
            pltpu.sync_copy(src_h.at[pl.ds(base, IDX_BLK)], src_t)
            pltpu.sync_copy(dst_h.at[pl.ds(base, IDX_BLK)], dst_t)

            def pair(u, carry2):
                ja = 2 * u
                jb = 2 * u + 1

                @pl.when(u > 0)
                def _():
                    wait_scatter(jb - 2, rows1, sem3)

                cpb = pltpu.async_copy(x_h.at[src_t.at[jb]], rows1, sem1)
                count_row(ja)
                wait_gather(ja, rows0, sem0)

                @pl.when((u == 0) & (blk < N_BLKS - 1))
                def _():
                    pltpu.sync_copy(src_h.at[pl.ds(base + IDX_BLK, 1)],
                                    srcn_t)

                pltpu.async_copy(rows0, acc_s.at[dst_t.at[ja]], sem2,
                                 add=True)
                count_row(jb)
                wait_scatter(ja, rows0, sem2)

                @pl.when(u < IDX_BLK // 2 - 1)
                def _():
                    pltpu.async_copy(x_h.at[src_t.at[ja + 2]], rows0, sem0)

                @pl.when((u == IDX_BLK // 2 - 1) & (blk < N_BLKS - 1))
                def _():
                    pltpu.async_copy(x_h.at[srcn_t.at[0]], rows0, sem0)

                cpb.wait()
                pltpu.async_copy(rows1, acc_s.at[dst_t.at[jb]], sem3,
                                 add=True)
                return carry2

            lax.fori_loop(0, IDX_BLK // 2, pair, carry)
            wait_scatter(IDX_BLK - 1, rows1, sem3)
            return carry

        lax.fori_loop(0, N_BLKS, outer, 0)
        plsc.subcore_barrier()

        for kk in range(FULL):
            r = row0 + kk * CHUNK
            pltpu.sync_copy(acc_s.at[pl.ds(r, CHUNK)], rows0)
            pltpu.sync_copy(rows0, sum_h.at[g, pl.ds(r, CHUNK)])
        r = row0 + FULL * CHUNK
        pltpu.sync_copy(acc_s.at[pl.ds(r, REM)], rows0.at[pl.ds(0, REM)])
        pltpu.sync_copy(rows0.at[pl.ds(0, REM)], sum_h.at[g, pl.ds(r, REM)])
        pltpu.sync_copy(hist_t, cnt_h.at[g, s])

    return k(x2, src2, dst2, zrow)


def _tc_body(sums, cnts, ctx, wsrc, wdst2, b2, out):
    cA = jnp.maximum(jnp.sum(cnts[0], axis=1, keepdims=True), 1.0)
    cB = jnp.maximum(jnp.sum(cnts[1], axis=1, keepdims=True), 1.0)
    m = sums[0] / cA + sums[1] / cB
    acc = jnp.dot(m, wsrc[...], preferred_element_type=jnp.float32)
    acc += jnp.dot(ctx[...], wdst2[...], preferred_element_type=jnp.float32)
    out[...] = acc + b2[...]


def _tc_epilogue(sums, cnts_t, context, W_src, W_dst2, b2):
    blk = 1000
    grid = (N_CTX // blk,)
    return pl.pallas_call(
        _tc_body,
        grid=grid,
        in_specs=[
            pl.BlockSpec((2, blk, D), lambda i: (0, i, 0)),
            pl.BlockSpec((2, blk, N_TILES), lambda i: (0, i, 0)),
            pl.BlockSpec((blk, D), lambda i: (i, 0)),
            pl.BlockSpec((D, D), lambda i: (0, 0)),
            pl.BlockSpec((D, D), lambda i: (0, 0)),
            pl.BlockSpec((1, D), lambda i: (0, 0)),
        ],
        out_specs=pl.BlockSpec((blk, D), lambda i: (i, 0)),
        out_shape=jax.ShapeDtypeStruct((N_CTX, D), jnp.float32),
    )(sums, cnts_t, context, W_src, W_dst2, b2)


def _prep_edges(edges, src_off):
    src = edges[0].astype(jnp.int32) + src_off
    dst = edges[1].astype(jnp.int32)
    pad = E_PAD - N_EDGES
    src = jnp.concatenate([src, jnp.full((pad,), src_off, jnp.int32)])
    dst = jnp.concatenate([dst, jnp.full((pad,), N_CTX, jnp.int32)])
    return src.reshape(IDX_ROWS, CHUNK), dst.reshape(IDX_ROWS, CHUNK)


def kernel(xA, edgesA, xB, edgesB, context, W_src, W_dst, b):
    srcA, dstA = _prep_edges(edgesA, 0)
    srcB, dstB = _prep_edges(edgesB, N_NODES)
    x2 = jnp.concatenate([xA, xB])
    src2 = jnp.concatenate([srcA, srcB])
    dst2 = jnp.concatenate([dstA, dstB])
    zrow = jnp.zeros((CHUNK, D), jnp.float32)
    sums, hists = _sc_segment_sums(x2, src2, dst2, zrow)
    cnts_t = hists.transpose(0, 2, 1)
    return _tc_epilogue(sums, cnts_t, context,
                        W_src, 2.0 * W_dst, (2.0 * b).reshape(1, D))

# --- scband reference (transcript-rebuilt; emitter-appended) ---
"""Pipeline reference for scband-bottleneck-71605694759076 (READ-ONLY COPY).

The authoritative reference and input builder live on the scoring server;
editing this copy changes nothing except your own understanding.
"""

import jax, jax.numpy as jnp
import numpy as np

N_NODES = 10000
N_CTX = 10000
N_EDGES = 320000
D = 128


def _bipartite_sage(x_src, x_dst, edge_index, W_src, W_dst, b):
    # Bipartite mean-aggregation message passing (SAGEConv-style):
    # gather src features along edges, scatter-mean onto dst (context) nodes,
    # then linear transform plus root (dst) transform.
    src = edge_index[0]
    dst = edge_index[1]
    msgs = jnp.take(x_src, src, axis=0)                                  # gather [E, D]
    summed = jax.ops.segment_sum(msgs, dst, num_segments=x_dst.shape[0])  # scatter-add [M, D]
    cnt = jax.ops.segment_sum(jnp.ones((src.shape[0],), dtype=x_src.dtype), dst,
                              num_segments=x_dst.shape[0])
    mean = summed / jnp.clip(cnt, 1.0)[:, None]
    return mean @ W_src + x_dst @ W_dst + b


def setup_inputs(seed: int = 0) -> dict:
    key = jax.random.key(seed)
    k1, k2, k3, k4, k5, k6, k7, k8 = jax.random.split(key, 8)
    xA = jax.random.normal(k1, (N_NODES, D), dtype=jnp.float32)
    xB = jax.random.normal(k2, (N_NODES, D), dtype=jnp.float32)
    context = jax.random.normal(k3, (N_CTX, D), dtype=jnp.float32)
    edgesA = jax.random.randint(k4, (2, N_EDGES), 0, N_NODES, dtype=jnp.int64)
    edgesB = jax.random.randint(k5, (2, N_EDGES), 0, N_NODES, dtype=jnp.int64)
    # Learned parameters of the shared GNN (in_channels=128, out_channels=128)
    W_src = jax.random.normal(k6, (D, D), dtype=jnp.float32) * (1.0 / np.sqrt(D))
    W_dst = jax.random.normal(k7, (D, D), dtype=jnp.float32) * (1.0 / np.sqrt(D))
    b = jax.random.normal(k8, (D,), dtype=jnp.float32) * 0.01
    return {"xA": xA, "edgesA": edgesA, "xB": xB, "edgesB": edgesB,
            "context": context, "W_src": W_src, "W_dst": W_dst, "b": b}


def reference(xA, edgesA, xB, edgesB, context, W_src, W_dst, b):
    # Bottleneck.forward: apply the SAME gnn to (graphA.x, context) and (graphB.x, context)
    # over each graph's context_x_edges, then sum the local contexts.
    local_context_A = _bipartite_sage(xA, context, edgesA, W_src, W_dst, b)
    local_context_B = _bipartite_sage(xB, context, edgesB, W_src, W_dst, b)
    return local_context_A + local_context_B

if __name__ == "__main__":
    import jax
    _d = setup_inputs()
    print(jax.jit(kernel)(*tuple(_d.values())))

</pallas_src>

<mosaic_0001>
#map = affine_map<(d0, d1) -> (0, 0)>
#map1 = affine_map<(d0, d1) -> (0, 0, 0)>
module attributes {stable_mosaic.version = 14 : i64} {
  func.func @k(%arg0: i32, %arg1: i32, %arg2: memref<20000x128xf32, #tpu.memory_space<hbm>>, %arg3: memref<5120x128xi32, #tpu.memory_space<hbm>>, %arg4: memref<5120x128xi32, #tpu.memory_space<hbm>>, %arg5: memref<128x128xf32, #tpu.memory_space<hbm>>, %arg6: memref<2x10112x128xf32, #tpu.memory_space<hbm>>, %arg7: memref<2x16x10240xf32, #tpu.memory_space<hbm>>, %arg8: memref<16x128xi32, #tpu.memory_space<vmem>>, %arg9: memref<16x128xi32, #tpu.memory_space<vmem>>, %arg10: memref<1x128xi32, #tpu.memory_space<vmem>>, %arg11: memref<128x128xf32, #tpu.memory_space<vmem>>, %arg12: memref<128x128xf32, #tpu.memory_space<vmem>>, %arg13: memref<10240xf32, #tpu.memory_space<vmem>>, %arg14: memref<10112x128xf32, #tpu.memory_space<vmem_shared>>, %arg15: memref<!tpu.dma_semaphore, #tpu.memory_space<semaphore_mem>>, %arg16: memref<!tpu.dma_semaphore, #tpu.memory_space<semaphore_mem>>, %arg17: memref<!tpu.dma_semaphore, #tpu.memory_space<semaphore_mem>>, %arg18: memref<!tpu.dma_semaphore, #tpu.memory_space<semaphore_mem>>) attributes {dimension_semantics = [#tpu.dimension_semantics<core_parallel>, #tpu.dimension_semantics<subcore_parallel>], iteration_bounds = array<i64: 2, 16>, scalar_prefetch = 0 : i64, scratch_operands = 11 : i64, tpu.core_type = #tpu.core_type<sc_vector_subcore>, window_params = [{transform_indices = #map}, {transform_indices = #map}, {transform_indices = #map}, {transform_indices = #map}, {transform_indices = #map1}, {transform_indices = #map1}]} {
    %mul3A = arith.constant 632 : i32
    %mul3A_0 = arith.muli %arg1, %mul3A : i32
    "tpu.region"() ({
      %run_scoped3A = tpu.sem_alloc : memref<!tpu.dma_semaphore, #tpu.memory_space<semaphore_mem>>
      tpu.enqueue_dma source(%arg5 : memref<128x128xf32, #tpu.memory_space<hbm>>) target(%arg11 : memref<128x128xf32, #tpu.memory_space<vmem>>) target_semaphore(%run_scoped3A : memref<!tpu.dma_semaphore, #tpu.memory_space<semaphore_mem>>)
      tpu.wait_dma2 semaphore(%run_scoped3A : memref<!tpu.dma_semaphore, #tpu.memory_space<semaphore_mem>>) src(%arg5 : memref<128x128xf32, #tpu.memory_space<hbm>>) dst(%arg11 : memref<128x128xf32, #tpu.memory_space<vmem>>)
      tpu.yield
    }) : () -> ()
    %add3A = arith.constant 0 : i32
    %add3A_1 = arith.addi %mul3A_0, %add3A : i32
    "tpu.region"() ({
      %run_scoped3A = tpu.sem_alloc : memref<!tpu.dma_semaphore, #tpu.memory_space<semaphore_mem>>
      %dma_start3A_93 = arith.constant 0 : i32
      %dma_start3A_94 = tpu.memref_slice %arg14[%add3A_1, %dma_start3A_93] : memref<10112x128xf32, #tpu.memory_space<vmem_shared>> -> memref<128x128xf32, #tpu.memory_space<vmem_shared>>
      %dma_start3A_95 = arith.constant 0 : i32
      %dma_start3A_96 = tpu.memref_slice %arg14[%add3A_1, %dma_start3A_95] : memref<10112x128xf32, #tpu.memory_space<vmem_shared>> -> memref<128x128xf32, #tpu.memory_space<vmem_shared>>
      tpu.enqueue_dma source(%arg11 : memref<128x128xf32, #tpu.memory_space<vmem>>) target(%dma_start3A_96 : memref<128x128xf32, #tpu.memory_space<vmem_shared>>) target_semaphore(%run_scoped3A : memref<!tpu.dma_semaphore, #tpu.memory_space<semaphore_mem>>)
      %dma_wait3A = arith.constant 0 : i32
      %dma_wait3A_97 = tpu.memref_slice %arg14[%add3A_1, %dma_wait3A] : memref<10112x128xf32, #tpu.memory_space<vmem_shared>> -> memref<128x128xf32, #tpu.memory_space<vmem_shared>>
      %dma_wait3A_98 = arith.constant 0 : i32
      %dma_wait3A_99 = tpu.memref_slice %arg14[%add3A_1, %dma_wait3A_98] : memref<10112x128xf32, #tpu.memory_space<vmem_shared>> -> memref<128x128xf32, #tpu.memory_space<vmem_shared>>
      tpu.wait_dma2 semaphore(%run_scoped3A : memref<!tpu.dma_semaphore, #tpu.memory_space<semaphore_mem>>) src(%arg11 : memref<128x128xf32, #tpu.memory_space<vmem>>) dst(%dma_wait3A_99 : memref<128x128xf32, #tpu.memory_space<vmem_shared>>)
      tpu.yield
    }) : () -> ()
    %add3A_2 = arith.constant 128 : i32
    %add3A_3 = arith.addi %mul3A_0, %add3A_2 : i32
    "tpu.region"() ({
      %run_scoped3A = tpu.sem_alloc : memref<!tpu.dma_semaphore, #tpu.memory_space<semaphore_mem>>
      %dma_start3A_93 = arith.constant 0 : i32
      %dma_start3A_94 = tpu.memref_slice %arg14[%add3A_3, %dma_start3A_93] : memref<10112x128xf32, #tpu.memory_space<vmem_shared>> -> memref<128x128xf32, #tpu.memory_space<vmem_shared>>
      %dma_start3A_95 = arith.constant 0 : i32
      %dma_start3A_96 = tpu.memref_slice %arg14[%add3A_3, %dma_start3A_95] : memref<10112x128xf32, #tpu.memory_space<vmem_shared>> -> memref<128x128xf32, #tpu.memory_space<vmem_shared>>
      tpu.enqueue_dma source(%arg11 : memref<128x128xf32, #tpu.memory_space<vmem>>) target(%dma_start3A_96 : memref<128x128xf32, #tpu.memory_space<vmem_shared>>) target_semaphore(%run_scoped3A : memref<!tpu.dma_semaphore, #tpu.memory_space<semaphore_mem>>)
      %dma_wait3A = arith.constant 0 : i32
      %dma_wait3A_97 = tpu.memref_slice %arg14[%add3A_3, %dma_wait3A] : memref<10112x128xf32, #tpu.memory_space<vmem_shared>> -> memref<128x128xf32, #tpu.memory_space<vmem_shared>>
      %dma_wait3A_98 = arith.constant 0 : i32
      %dma_wait3A_99 = tpu.memref_slice %arg14[%add3A_3, %dma_wait3A_98] : memref<10112x128xf32, #tpu.memory_space<vmem_shared>> -> memref<128x128xf32, #tpu.memory_space<vmem_shared>>
      tpu.wait_dma2 semaphore(%run_scoped3A : memref<!tpu.dma_semaphore, #tpu.memory_space<semaphore_mem>>) src(%arg11 : memref<128x128xf32, #tpu.memory_space<vmem>>) dst(%dma_wait3A_99 : memref<128x128xf32, #tpu.memory_space<vmem_shared>>)
      tpu.yield
    }) : () -> ()
    %add3A_4 = arith.constant 256 : i32
    %add3A_5 = arith.addi %mul3A_0, %add3A_4 : i32
    "tpu.region"() ({
      %run_scoped3A = tpu.sem_alloc : memref<!tpu.dma_semaphore, #tpu.memory_space<semaphore_mem>>
      %dma_start3A_93 = arith.constant 0 : i32
      %dma_start3A_94 = tpu.memref_slice %arg14[%add3A_5, %dma_start3A_93] : memref<10112x128xf32, #tpu.memory_space<vmem_shared>> -> memref<128x128xf32, #tpu.memory_space<vmem_shared>>
      %dma_start3A_95 = arith.constant 0 : i32
      %dma_start3A_96 = tpu.memref_slice %arg14[%add3A_5, %dma_start3A_95] : memref<10112x128xf32, #tpu.memory_space<vmem_shared>> -> memref<128x128xf32, #tpu.memory_space<vmem_shared>>
      tpu.enqueue_dma source(%arg11 : memref<128x128xf32, #tpu.memory_space<vmem>>) target(%dma_start3A_96 : memref<128x128xf32, #tpu.memory_space<vmem_shared>>) target_semaphore(%run_scoped3A : memref<!tpu.dma_semaphore, #tpu.memory_space<semaphore_mem>>)
      %dma_wait3A = arith.constant 0 : i32
      %dma_wait3A_97 = tpu.memref_slice %arg14[%add3A_5, %dma_wait3A] : memref<10112x128xf32, #tpu.memory_space<vmem_shared>> -> memref<128x128xf32, #tpu.memory_space<vmem_shared>>
      %dma_wait3A_98 = arith.constant 0 : i32
      %dma_wait3A_99 = tpu.memref_slice %arg14[%add3A_5, %dma_wait3A_98] : memref<10112x128xf32, #tpu.memory_space<vmem_shared>> -> memref<128x128xf32, #tpu.memory_space<vmem_shared>>
      tpu.wait_dma2 semaphore(%run_scoped3A : memref<!tpu.dma_semaphore, #tpu.memory_space<semaphore_mem>>) src(%arg11 : memref<128x128xf32, #tpu.memory_space<vmem>>) dst(%dma_wait3A_99 : memref<128x128xf32, #tpu.memory_space<vmem_shared>>)
      tpu.yield
    }) : () -> ()
    %add3A_6 = arith.constant 384 : i32
    %add3A_7 = arith.addi %mul3A_0, %add3A_6 : i32
    "tpu.region"() ({
      %run_scoped3A = tpu.sem_alloc : memref<!tpu.dma_semaphore, #tpu.memory_space<semaphore_mem>>
      %dma_start3A_93 = arith.constant 0 : i32
      %dma_start3A_94 = tpu.memref_slice %arg14[%add3A_7, %dma_start3A_93] : memref<10112x128xf32, #tpu.memory_space<vmem_shared>> -> memref<128x128xf32, #tpu.memory_space<vmem_shared>>
      %dma_start3A_95 = arith.constant 0 : i32
      %dma_start3A_96 = tpu.memref_slice %arg14[%add3A_7, %dma_start3A_95] : memref<10112x128xf32, #tpu.memory_space<vmem_shared>> -> memref<128x128xf32, #tpu.memory_space<vmem_shared>>
      tpu.enqueue_dma source(%arg11 : memref<128x128xf32, #tpu.memory_space<vmem>>) target(%dma_start3A_96 : memref<128x128xf32, #tpu.memory_space<vmem_shared>>) target_semaphore(%run_scoped3A : memref<!tpu.dma_semaphore, #tpu.memory_space<semaphore_mem>>)
      %dma_wait3A = arith.constant 0 : i32
      %dma_wait3A_97 = tpu.memref_slice %arg14[%add3A_7, %dma_wait3A] : memref<10112x128xf32, #tpu.memory_space<vmem_shared>> -> memref<128x128xf32, #tpu.memory_space<vmem_shared>>
      %dma_wait3A_98 = arith.constant 0 : i32
      %dma_wait3A_99 = tpu.memref_slice %arg14[%add3A_7, %dma_wait3A_98] : memref<10112x128xf32, #tpu.memory_space<vmem_shared>> -> memref<128x128xf32, #tpu.memory_space<vmem_shared>>
      tpu.wait_dma2 semaphore(%run_scoped3A : memref<!tpu.dma_semaphore, #tpu.memory_space<semaphore_mem>>) src(%arg11 : memref<128x128xf32, #tpu.memory_space<vmem>>) dst(%dma_wait3A_99 : memref<128x128xf32, #tpu.memory_space<vmem_shared>>)
      tpu.yield
    }) : () -> ()
    %add3A_8 = arith.constant 512 : i32
    %add3A_9 = arith.addi %mul3A_0, %add3A_8 : i32
    "tpu.region"() ({
      %run_scoped3A = tpu.sem_alloc : memref<!tpu.dma_semaphore, #tpu.memory_space<semaphore_mem>>
      %dma_start3A_93 = arith.constant 0 : i32
      %dma_start3A_94 = arith.constant 0 : i32
      %dma_start3A_95 = tpu.memref_slice %arg11[%dma_start3A_93, %dma_start3A_94] : memref<128x128xf32, #tpu.memory_space<vmem>> -> memref<120x128xf32, #tpu.memory_space<vmem>>
      %dma_start3A_96 = arith.constant 0 : i32
      %dma_start3A_97 = tpu.memref_slice %arg14[%add3A_9, %dma_start3A_96] : memref<10112x128xf32, #tpu.memory_space<vmem_shared>> -> memref<120x128xf32, #tpu.memory_space<vmem_shared>>
      %dma_start3A_98 = arith.constant 0 : i32
      %dma_start3A_99 = tpu.memref_slice %arg14[%add3A_9, %dma_start3A_98] : memref<10112x128xf32, #tpu.memory_space<vmem_shared>> -> memref<120x128xf32, #tpu.memory_space<vmem_shared>>
      %dma_start3A_100 = arith.constant 0 : i32
      %dma_start3A_101 = arith.constant 0 : i32
      %dma_start3A_102 = tpu.memref_slice %arg11[%dma_start3A_100, %dma_start3A_101] : memref<128x128xf32, #tpu.memory_space<vmem>> -> memref<120x128xf32, #tpu.memory_space<vmem>>
      tpu.enqueue_dma source(%dma_start3A_102 : memref<120x128xf32, #tpu.memory_space<vmem>>) target(%dma_start3A_99 : memref<120x128xf32, #tpu.memory_space<vmem_shared>>) target_semaphore(%run_scoped3A : memref<!tpu.dma_semaphore, #tpu.memory_space<semaphore_mem>>)
      %dma_wait3A = arith.constant 0 : i32
      %dma_wait3A_103 = arith.constant 0 : i32
      %dma_wait3A_104 = tpu.memref_slice %arg11[%dma_wait3A, %dma_wait3A_103] : memref<128x128xf32, #tpu.memory_space<vmem>> -> memref<120x128xf32, #tpu.memory_space<vmem>>
      %dma_wait3A_105 = arith.constant 0 : i32
      %dma_wait3A_106 = tpu.memref_slice %arg14[%add3A_9, %dma_wait3A_105] : memref<10112x128xf32, #tpu.memory_space<vmem_shared>> -> memref<120x128xf32, #tpu.memory_space<vmem_shared>>
      %dma_wait3A_107 = arith.constant 0 : i32
      %dma_wait3A_108 = tpu.memref_slice %arg14[%add3A_9, %dma_wait3A_107] : memref<10112x128xf32, #tpu.memory_space<vmem_shared>> -> memref<120x128xf32, #tpu.memory_space<vmem_shared>>
      %dma_wait3A_109 = arith.constant 0 : i32
      %dma_wait3A_110 = arith.constant 0 : i32
      %dma_wait3A_111 = tpu.memref_slice %arg11[%dma_wait3A_109, %dma_wait3A_110] : memref<128x128xf32, #tpu.memory_space<vmem>> -> memref<120x128xf32, #tpu.memory_space<vmem>>
      tpu.wait_dma2 semaphore(%run_scoped3A : memref<!tpu.dma_semaphore, #tpu.memory_space<semaphore_mem>>) src(%dma_wait3A_111 : memref<120x128xf32, #tpu.memory_space<vmem>>) dst(%dma_wait3A_108 : memref<120x128xf32, #tpu.memory_space<vmem_shared>>)
      tpu.yield
    }) : () -> ()
    %broadcast_in_dim3A = arith.constant 0.000000e+00 : f32
    %broadcast_in_dim3A_10 = vector.broadcast %broadcast_in_dim3A : f32 to vector<16xf32>
    %scan3A = arith.constant 0 : i32
    %scan3A_11 = arith.constant 0 : i32
    %scan3A_12 = arith.constant 640 : i32
    %scan3A_13 = arith.addi %scan3A_11, %scan3A_12 : i32
    %scan3A_14 = arith.constant 1 : i32
    scf.for %scan3A_93 = %scan3A_11 to %scan3A_13 step %scan3A_14  : i32 {
      %mul3A_94 = arith.constant 16 : i32
      %mul3A_95 = arith.muli %scan3A_93, %mul3A_94 : i32
      %swap3A = arith.index_cast %mul3A_95 : i32 to index
      %swap3A_96 = tpu.vector_load %arg13[%swap3A] {strides = array<i32>} : memref<10240xf32, #tpu.memory_space<vmem>>, vector<16xf32>,
      tpu.vector_store %arg13[%swap3A], %broadcast_in_dim3A_10 {strides = array<i32>} : memref<10240xf32, #tpu.memory_space<vmem>>, vector<16xf32>,
    }
    %scan3A_15 = arith.constant 640 : i32
    %barrier3A = arith.constant 0 : index
    tpu.barrier barrier_id(%barrier3A)
    %iota3A = tpu.iota {dimensions = array<i32: 0>} : vector<16xi32>
    %eq3A = arith.constant 0 : i32
    %eq3A_16 = vector.broadcast %eq3A : i32 to vector<16xi32>
    %eq3A_17 = arith.cmpi eq, %iota3A, %eq3A_16 : vector<16xi32>
    %eq3A_18 = arith.constant 1 : i32
    %eq3A_19 = vector.broadcast %eq3A_18 : i32 to vector<16xi32>
    %eq3A_20 = arith.cmpi eq, %iota3A, %eq3A_19 : vector<16xi32>
    %eq3A_21 = arith.constant 2 : i32
    %eq3A_22 = vector.broadcast %eq3A_21 : i32 to vector<16xi32>
    %eq3A_23 = arith.cmpi eq, %iota3A, %eq3A_22 : vector<16xi32>
    %eq3A_24 = arith.constant 3 : i32
    %eq3A_25 = vector.broadcast %eq3A_24 : i32 to vector<16xi32>
    %eq3A_26 = arith.cmpi eq, %iota3A, %eq3A_25 : vector<16xi32>
    %eq3A_27 = arith.constant 4 : i32
    %eq3A_28 = vector.broadcast %eq3A_27 : i32 to vector<16xi32>
    %eq3A_29 = arith.cmpi eq, %iota3A, %eq3A_28 : vector<16xi32>
    %eq3A_30 = arith.constant 5 : i32
    %eq3A_31 = vector.broadcast %eq3A_30 : i32 to vector<16xi32>
    %eq3A_32 = arith.cmpi eq, %iota3A, %eq3A_31 : vector<16xi32>
    %eq3A_33 = arith.constant 6 : i32
    %eq3A_34 = vector.broadcast %eq3A_33 : i32 to vector<16xi32>
    %eq3A_35 = arith.cmpi eq, %iota3A, %eq3A_34 : vector<16xi32>
    %eq3A_36 = arith.constant 7 : i32
    %eq3A_37 = vector.broadcast %eq3A_36 : i32 to vector<16xi32>
    %eq3A_38 = arith.cmpi eq, %iota3A, %eq3A_37 : vector<16xi32>
    %eq3A_39 = arith.constant 8 : i32
    %eq3A_40 = vector.broadcast %eq3A_39 : i32 to vector<16xi32>
    %eq3A_41 = arith.cmpi eq, %iota3A, %eq3A_40 : vector<16xi32>
    %eq3A_42 = arith.constant 9 : i32
    %eq3A_43 = vector.broadcast %eq3A_42 : i32 to vector<16xi32>
    %eq3A_44 = arith.cmpi eq, %iota3A, %eq3A_43 : vector<16xi32>
    %eq3A_45 = arith.constant 10 : i32
    %eq3A_46 = vector.broadcast %eq3A_45 : i32 to vector<16xi32>
    %eq3A_47 = arith.cmpi eq, %iota3A, %eq3A_46 : vector<16xi32>
    %eq3A_48 = arith.constant 11 : i32
    %eq3A_49 = vector.broadcast %eq3A_48 : i32 to vector<16xi32>
    %eq3A_50 = arith.cmpi eq, %iota3A, %eq3A_49 : vector<16xi32>
    %eq3A_51 = arith.constant 12 : i32
    %eq3A_52 = vector.broadcast %eq3A_51 : i32 to vector<16xi32>
    %eq3A_53 = arith.cmpi eq, %iota3A, %eq3A_52 : vector<16xi32>
    %eq3A_54 = arith.constant 13 : i32
    %eq3A_55 = vector.broadcast %eq3A_54 : i32 to vector<16xi32>
    %eq3A_56 = arith.cmpi eq, %iota3A, %eq3A_55 : vector<16xi32>
    %eq3A_57 = arith.constant 14 : i32
    %eq3A_58 = vector.broadcast %eq3A_57 : i32 to vector<16xi32>
    %eq3A_59 = arith.cmpi eq, %iota3A, %eq3A_58 : vector<16xi32>
    %eq3A_60 = arith.constant 15 : i32
    %eq3A_61 = vector.broadcast %eq3A_60 : i32 to vector<16xi32>
    %eq3A_62 = arith.cmpi eq, %iota3A, %eq3A_61 : vector<16xi32>
    %broadcast_in_dim3A_63 = arith.constant 1.000000e+00 : f32
    %broadcast_in_dim3A_64 = vector.broadcast %broadcast_in_dim3A_63 : f32 to vector<16xf32>
    %mul3A_65 = arith.constant 2560 : i32
    %mul3A_66 = arith.muli %arg0, %mul3A_65 : i32
    %mul3A_67 = arith.constant 160 : i32
    %mul3A_68 = arith.muli %arg1, %mul3A_67 : i32
    %add3A_69 = arith.addi %mul3A_66, %mul3A_68 : i32
    "tpu.region"() ({
      %run_scoped3A = tpu.sem_alloc : memref<!tpu.dma_semaphore, #tpu.memory_space<semaphore_mem>>
      %dma_start3A_93 = arith.constant 0 : i32
      %dma_start3A_94 = tpu.memref_slice %arg3[%add3A_69, %dma_start3A_93] : memref<5120x128xi32, #tpu.memory_space<hbm>> -> memref<1x128xi32, #tpu.memory_space<hbm>>
      %dma_start3A_95 = arith.constant 0 : i32
      %dma_start3A_96 = tpu.memref_slice %arg3[%add3A_69, %dma_start3A_95] : memref<5120x128xi32, #tpu.memory_space<hbm>> -> memref<1x128xi32, #tpu.memory_space<hbm>>
      tpu.enqueue_dma source(%dma_start3A_96 : memref<1x128xi32, #tpu.memory_space<hbm>>) target(%arg10 : memref<1x128xi32, #tpu.memory_space<vmem>>) target_semaphore(%run_scoped3A : memref<!tpu.dma_semaphore, #tpu.memory_space<semaphore_mem>>)
      %dma_wait3A = arith.constant 0 : i32
      %dma_wait3A_97 = tpu.memref_slice %arg3[%add3A_69, %dma_wait3A] : memref<5120x128xi32, #tpu.memory_space<hbm>> -> memref<1x128xi32, #tpu.memory_space<hbm>>
      %dma_wait3A_98 = arith.constant 0 : i32
      %dma_wait3A_99 = tpu.memref_slice %arg3[%add3A_69, %dma_wait3A_98] : memref<5120x128xi32, #tpu.memory_space<hbm>> -> memref<1x128xi32, #tpu.memory_space<hbm>>
      tpu.wait_dma2 semaphore(%run_scoped3A : memref<!tpu.dma_semaphore, #tpu.memory_space<semaphore_mem>>) src(%dma_wait3A_99 : memref<1x128xi32, #tpu.memory_space<hbm>>) dst(%arg10 : memref<1x128xi32, #tpu.memory_space<vmem>>)
      tpu.yield
    }) : () -> ()
    %dma_start3A = arith.constant 0 : i32
    %dma_start3A_70 = arith.constant 0 : i32
    %dma_start3A_71 = tpu.memref_slice %arg10[%dma_start3A, %dma_start3A_70] : memref<1x128xi32, #tpu.memory_space<vmem>> -> memref<1x128xi32, #tpu.memory_space<vmem>>
    %dma_start3A_72 = tpu.memref_squeeze %dma_start3A_71 : memref<1x128xi32, #tpu.memory_space<vmem>> -> memref<128xi32, #tpu.memory_space<vmem>>
    %dma_start3A_73 = arith.constant 0 : i32
    %dma_start3A_74 = arith.constant 0 : i32
    %dma_start3A_75 = tpu.memref_slice %arg2[%dma_start3A_73, %dma_start3A_74] : memref<20000x128xf32, #tpu.memory_space<hbm>> -> memref<20000x128xf32, #tpu.memory_space<hbm>>
    tpu.enqueue_indirect_dma source(%dma_start3A_75 : memref<20000x128xf32, #tpu.memory_space<hbm>>) target(%arg11 : memref<128x128xf32, #tpu.memory_space<vmem>>) offsets(%dma_start3A_72 : memref<128xi32, #tpu.memory_space<vmem>>) semaphore(%arg15 : memref<!tpu.dma_semaphore, #tpu.memory_space<semaphore_mem>>)
    %scan3A_76 = arith.constant 0 : i32
    %scan3A_77 = arith.constant 0 : i32
    %scan3A_78 = arith.constant 10 : i32
    %scan3A_79 = arith.addi %scan3A_77, %scan3A_78 : i32
    %scan3A_80 = arith.constant 1 : i32
    scf.for %scan3A_93 = %scan3A_77 to %scan3A_79 step %scan3A_80  : i32 {
      %mul3A_94 = arith.constant 16 : i32
      %mul3A_95 = arith.muli %scan3A_93, %mul3A_94 : i32
      %add3A_96 = arith.addi %add3A_69, %mul3A_95 : i32
      "tpu.region"() ({
        %run_scoped3A = tpu.sem_alloc : memref<!tpu.dma_semaphore, #tpu.memory_space<semaphore_mem>>
        %dma_start3A_108 = arith.constant 0 : i32
        %dma_start3A_109 = tpu.memref_slice %arg3[%add3A_96, %dma_start3A_108] : memref<5120x128xi32, #tpu.memory_space<hbm>> -> memref<16x128xi32, #tpu.memory_space<hbm>>
        %dma_start3A_110 = arith.constant 0 : i32
        %dma_start3A_111 = tpu.memref_slice %arg3[%add3A_96, %dma_start3A_110] : memref<5120x128xi32, #tpu.memory_space<hbm>> -> memref<16x128xi32, #tpu.memory_space<hbm>>
        tpu.enqueue_dma source(%dma_start3A_111 : memref<16x128xi32, #tpu.memory_space<hbm>>) target(%arg8 : memref<16x128xi32, #tpu.memory_space<vmem>>) target_semaphore(%run_scoped3A : memref<!tpu.dma_semaphore, #tpu.memory_space<semaphore_mem>>)
        %dma_wait3A_112 = arith.constant 0 : i32
        %dma_wait3A_113 = tpu.memref_slice %arg3[%add3A_96, %dma_wait3A_112] : memref<5120x128xi32, #tpu.memory_space<hbm>> -> memref<16x128xi32, #tpu.memory_space<hbm>>
        %dma_wait3A_114 = arith.constant 0 : i32
        %dma_wait3A_115 = tpu.memref_slice %arg3[%add3A_96, %dma_wait3A_114] : memref<5120x128xi32, #tpu.memory_space<hbm>> -> memref<16x128xi32, #tpu.memory_space<hbm>>
        tpu.wait_dma2 semaphore(%run_scoped3A : memref<!tpu.dma_semaphore, #tpu.memory_space<semaphore_mem>>) src(%dma_wait3A_115 : memref<16x128xi32, #tpu.memory_space<hbm>>) dst(%arg8 : memref<16x128xi32, #tpu.memory_space<vmem>>)
        tpu.yield
      }) : () -> ()
      "tpu.region"() ({
        %run_scoped3A = tpu.sem_alloc : memref<!tpu.dma_semaphore, #tpu.memory_space<semaphore_mem>>
        %dma_start3A_108 = arith.constant 0 : i32
        %dma_start3A_109 = tpu.memref_slice %arg4[%add3A_96, %dma_start3A_108] : memref<5120x128xi32, #tpu.memory_space<hbm>> -> memref<16x128xi32, #tpu.memory_space<hbm>>
        %dma_start3A_110 = arith.constant 0 : i32
        %dma_start3A_111 = tpu.memref_slice %arg4[%add3A_96, %dma_start3A_110] : memref<5120x128xi32, #tpu.memory_space<hbm>> -> memref<16x128xi32, #tpu.memory_space<hbm>>
        tpu.enqueue_dma source(%dma_start3A_111 : memref<16x128xi32, #tpu.memory_space<hbm>>) target(%arg9 : memref<16x128xi32, #tpu.memory_space<vmem>>) target_semaphore(%run_scoped3A : memref<!tpu.dma_semaphore, #tpu.memory_space<semaphore_mem>>)
        %dma_wait3A_112 = arith.constant 0 : i32
        %dma_wait3A_113 = tpu.memref_slice %arg4[%add3A_96, %dma_wait3A_112] : memref<5120x128xi32, #tpu.memory_space<hbm>> -> memref<16x128xi32, #tpu.memory_space<hbm>>
        %dma_wait3A_114 = arith.constant 0 : i32
        %dma_wait3A_115 = tpu.memref_slice %arg4[%add3A_96, %dma_wait3A_114] : memref<5120x128xi32, #tpu.memory_space<hbm>> -> memref<16x128xi32, #tpu.memory_space<hbm>>
        tpu.wait_dma2 semaphore(%run_scoped3A : memref<!tpu.dma_semaphore, #tpu.memory_space<semaphore_mem>>) src(%dma_wait3A_115 : memref<16x128xi32, #tpu.memory_space<hbm>>) dst(%arg9 : memref<16x128xi32, #tpu.memory_space<vmem>>)
        tpu.yield
      }) : () -> ()
      %scan3A_97 = arith.constant 0 : i32
      %scan3A_98 = arith.constant 8 : i32
      %scan3A_99 = arith.addi %scan3A_97, %scan3A_98 : i32
      %scan3A_100 = arith.constant 1 : i32
      scf.for %scan3A_108 = %scan3A_97 to %scan3A_99 step %scan3A_100  : i32 {
        %mul3A_109 = arith.constant 2 : i32
        %mul3A_110 = arith.muli %mul3A_109, %scan3A_108 : i32
        %mul3A_111 = arith.constant 2 : i32
        %mul3A_112 = arith.muli %mul3A_111, %scan3A_108 : i32
        %add3A_113 = arith.constant 1 : i32
        %add3A_114 = arith.addi %mul3A_112, %add3A_113 : i32
        %gt3A = arith.constant 0 : i32
        %gt3A_115 = arith.cmpi sgt, %scan3A_108, %gt3A : i32
        %convert_element_type3A = arith.extui %gt3A_115 : i1 to i32
        %cond3A = arith.constant 0 : i32
        %cond3A_116 = arith.cmpi ne, %convert_element_type3A, %cond3A : i32
        scf.if %cond3A_116 {
          %sub3A = arith.constant 2 : i32
          %sub3A_184 = arith.subi %add3A_114, %sub3A : i32
          %dma_wait3A_185 = arith.constant 0 : i32
          %dma_wait3A_186 = tpu.memref_slice %arg9[%sub3A_184, %dma_wait3A_185] : memref<16x128xi32, #tpu.memory_space<vmem>> -> memref<1x128xi32, #tpu.memory_space<vmem>>
          %dma_wait3A_187 = tpu.memref_squeeze %dma_wait3A_186 : memref<1x128xi32, #tpu.memory_space<vmem>> -> memref<128xi32, #tpu.memory_space<vmem>>
          %dma_wait3A_188 = arith.constant 0 : i32
          %dma_wait3A_189 = arith.constant 0 : i32
          %dma_wait3A_190 = tpu.memref_slice %arg14[%dma_wait3A_188, %dma_wait3A_189] : memref<10112x128xf32, #tpu.memory_space<vmem_shared>> -> memref<10112x128xf32, #tpu.memory_space<vmem_shared>>
          tpu.wait_indirect_dma semaphore(%arg18 : memref<!tpu.dma_semaphore, #tpu.memory_space<semaphore_mem>>) src(%arg12 : memref<128x128xf32, #tpu.memory_space<vmem>>) dst(%dma_wait3A_190 : memref<10112x128xf32, #tpu.memory_space<vmem_shared>>)
        } else {
        }
        %dma_start3A_117 = arith.constant 0 : i32
        %dma_start3A_118 = tpu.memref_slice %arg8[%add3A_114, %dma_start3A_117] : memref<16x128xi32, #tpu.memory_space<vmem>> -> memref<1x128xi32, #tpu.memory_space<vmem>>
        %dma_start3A_119 = tpu.memref_squeeze %dma_start3A_118 : memref<1x128xi32, #tpu.memory_space<vmem>> -> memref<128xi32, #tpu.memory_space<vmem>>
        %dma_start3A_120 = arith.constant 0 : i32
        %dma_start3A_121 = arith.constant 0 : i32
        %dma_start3A_122 = tpu.memref_slice %arg2[%dma_start3A_120, %dma_start3A_121] : memref<20000x128xf32, #tpu.memory_space<hbm>> -> memref<20000x128xf32, #tpu.memory_space<hbm>>
        tpu.enqueue_indirect_dma source(%dma_start3A_122 : memref<20000x128xf32, #tpu.memory_space<hbm>>) target(%arg12 : memref<128x128xf32, #tpu.memory_space<vmem>>) offsets(%dma_start3A_119 : memref<128xi32, #tpu.memory_space<vmem>>) semaphore(%arg16 : memref<!tpu.dma_semaphore, #tpu.memory_space<semaphore_mem>>)
        %scan3A_123 = arith.constant 0 : i32
        %scan3A_124 = arith.constant 0 : i32
        %scan3A_125 = arith.constant 8 : i32
        %scan3A_126 = arith.addi %scan3A_124, %scan3A_125 : i32
        %scan3A_127 = arith.constant 1 : i32
        scf.for %scan3A_184 = %scan3A_124 to %scan3A_126 step %scan3A_127  : i32 {
          %mul3A_185 = arith.constant 16 : i32
          %mul3A_186 = arith.muli %scan3A_184, %mul3A_185 : i32
          %get3A = arith.index_cast %mul3A_110 : i32 to index
          %get3A_187 = arith.index_cast %mul3A_186 : i32 to index
          %get3A_188 = tpu.vector_load %arg9[%get3A, %get3A_187] {strides = array<i32>} : memref<16x128xi32, #tpu.memory_space<vmem>>, vector<16xi32>,
          tpu.vector_store_idx %arg13[%get3A_188], %broadcast_in_dim3A_64 masked %eq3A_17 {add = true} : memref<10240xf32, #tpu.memory_space<vmem>>[vector<16xi32>], vector<16xf32>, vector<16xi1>
          tpu.vector_store_idx %arg13[%get3A_188], %broadcast_in_dim3A_64 masked %eq3A_20 {add = true} : memref<10240xf32, #tpu.memory_space<vmem>>[vector<16xi32>], vector<16xf32>, vector<16xi1>
          tpu.vector_store_idx %arg13[%get3A_188], %broadcast_in_dim3A_64 masked %eq3A_23 {add = true} : memref<10240xf32, #tpu.memory_space<vmem>>[vector<16xi32>], vector<16xf32>, vector<16xi1>
          tpu.vector_store_idx %arg13[%get3A_188], %broadcast_in_dim3A_64 masked %eq3A_26 {add = true} : memref<10240xf32, #tpu.memory_space<vmem>>[vector<16xi32>], vector<16xf32>, vector<16xi1>
          tpu.vector_store_idx %arg13[%get3A_188], %broadcast_in_dim3A_64 masked %eq3A_29 {add = true} : memref<10240xf32, #tpu.memory_space<vmem>>[vector<16xi32>], vector<16xf32>, vector<16xi1>
          tpu.vector_store_idx %arg13[%get3A_188], %broadcast_in_dim3A_64 masked %eq3A_32 {add = true} : memref<10240xf32, #tpu.memory_space<vmem>>[vector<16xi32>], vector<16xf32>, vector<16xi1>
          tpu.vector_store_idx %arg13[%get3A_188], %broadcast_in_dim3A_64 masked %eq3A_35 {add = true} : memref<10240xf32, #tpu.memory_space<vmem>>[vector<16xi32>], vector<16xf32>, vector<16xi1>
          tpu.vector_store_idx %arg13[%get3A_188], %broadcast_in_dim3A_64 masked %eq3A_38 {add = true} : memref<10240xf32, #tpu.memory_space<vmem>>[vector<16xi32>], vector<16xf32>, vector<16xi1>
          tpu.vector_store_idx %arg13[%get3A_188], %broadcast_in_dim3A_64 masked %eq3A_41 {add = true} : memref<10240xf32, #tpu.memory_space<vmem>>[vector<16xi32>], vector<16xf32>, vector<16xi1>
          tpu.vector_store_idx %arg13[%get3A_188], %broadcast_in_dim3A_64 masked %eq3A_44 {add = true} : memref<10240xf32, #tpu.memory_space<vmem>>[vector<16xi32>], vector<16xf32>, vector<16xi1>
          tpu.vector_store_idx %arg13[%get3A_188], %broadcast_in_dim3A_64 masked %eq3A_47 {add = true} : memref<10240xf32, #tpu.memory_space<vmem>>[vector<16xi32>], vector<16xf32>, vector<16xi1>
          tpu.vector_store_idx %arg13[%get3A_188], %broadcast_in_dim3A_64 masked %eq3A_50 {add = true} : memref<10240xf32, #tpu.memory_space<vmem>>[vector<16xi32>], vector<16xf32>, vector<16xi1>
          tpu.vector_store_idx %arg13[%get3A_188], %broadcast_in_dim3A_64 masked %eq3A_53 {add = true} : memref<10240xf32, #tpu.memory_space<vmem>>[vector<16xi32>], vector<16xf32>, vector<16xi1>
          tpu.vector_store_idx %arg13[%get3A_188], %broadcast_in_dim3A_64 masked %eq3A_56 {add = true} : memref<10240xf32, #tpu.memory_space<vmem>>[vector<16xi32>], vector<16xf32>, vector<16xi1>
          tpu.vector_store_idx %arg13[%get3A_188], %broadcast_in_dim3A_64 masked %eq3A_59 {add = true} : memref<10240xf32, #tpu.memory_space<vmem>>[vector<16xi32>], vector<16xf32>, vector<16xi1>
          tpu.vector_store_idx %arg13[%get3A_188], %broadcast_in_dim3A_64 masked %eq3A_62 {add = true} : memref<10240xf32, #tpu.memory_space<vmem>>[vector<16xi32>], vector<16xf32>, vector<16xi1>
        }
        %scan3A_128 = arith.constant 8 : i32
        %dma_wait3A_129 = arith.constant 0 : i32
        %dma_wait3A_130 = tpu.memref_slice %arg8[%mul3A_110, %dma_wait3A_129] : memref<16x128xi32, #tpu.memory_space<vmem>> -> memref<1x128xi32, #tpu.memory_space<vmem>>
        %dma_wait3A_131 = tpu.memref_squeeze %dma_wait3A_130 : memref<1x128xi32, #tpu.memory_space<vmem>> -> memref<128xi32, #tpu.memory_space<vmem>>
        %dma_wait3A_132 = arith.constant 0 : i32
        %dma_wait3A_133 = arith.constant 0 : i32
        %dma_wait3A_134 = tpu.memref_slice %arg2[%dma_wait3A_132, %dma_wait3A_133] : memref<20000x128xf32, #tpu.memory_space<hbm>> -> memref<20000x128xf32, #tpu.memory_space<hbm>>
        tpu.wait_indirect_dma semaphore(%arg15 : memref<!tpu.dma_semaphore, #tpu.memory_space<semaphore_mem>>) src(%dma_wait3A_134 : memref<20000x128xf32, #tpu.memory_space<hbm>>) dst(%arg11 : memref<128x128xf32, #tpu.memory_space<vmem>>)
        %eq3A_135 = arith.constant 0 : i32
        %eq3A_136 = arith.cmpi eq, %scan3A_108, %eq3A_135 : i32
        %lt3A = arith.constant 9 : i32
        %lt3A_137 = arith.cmpi slt, %scan3A_93, %lt3A : i32
        %and3A = arith.andi %eq3A_136, %lt3A_137 : i1
        %convert_element_type3A_138 = arith.extui %and3A : i1 to i32
        %cond3A_139 = arith.constant 0 : i32
        %cond3A_140 = arith.cmpi ne, %convert_element_type3A_138, %cond3A_139 : i32
        scf.if %cond3A_140 {
          %add3A_184 = arith.constant 16 : i32
          %add3A_185 = arith.addi %add3A_96, %add3A_184 : i32
          "tpu.region"() ({
            %run_scoped3A = tpu.sem_alloc : memref<!tpu.dma_semaphore, #tpu.memory_space<semaphore_mem>>
            %dma_start3A_186 = arith.constant 0 : i32
            %dma_start3A_187 = tpu.memref_slice %arg3[%add3A_185, %dma_start3A_186] : memref<5120x128xi32, #tpu.memory_space<hbm>> -> memref<1x128xi32, #tpu.memory_space<hbm>>
            %dma_start3A_188 = arith.constant 0 : i32
            %dma_start3A_189 = tpu.memref_slice %arg3[%add3A_185, %dma_start3A_188] : memref<5120x128xi32, #tpu.memory_space<hbm>> -> memref<1x128xi32, #tpu.memory_space<hbm>>
            tpu.enqueue_dma source(%dma_start3A_189 : memref<1x128xi32, #tpu.memory_space<hbm>>) target(%arg10 : memref<1x128xi32, #tpu.memory_space<vmem>>) target_semaphore(%run_scoped3A : memref<!tpu.dma_semaphore, #tpu.memory_space<semaphore_mem>>)
            %dma_wait3A_190 = arith.constant 0 : i32
            %dma_wait3A_191 = tpu.memref_slice %arg3[%add3A_185, %dma_wait3A_190] : memref<5120x128xi32, #tpu.memory_space<hbm>> -> memref<1x128xi32, #tpu.memory_space<hbm>>
            %dma_wait3A_192 = arith.constant 0 : i32
            %dma_wait3A_193 = tpu.memref_slice %arg3[%add3A_185, %dma_wait3A_192] : memref<5120x128xi32, #tpu.memory_space<hbm>> -> memref<1x128xi32, #tpu.memory_space<hbm>>
            tpu.wait_dma2 semaphore(%run_scoped3A : memref<!tpu.dma_semaphore, #tpu.memory_space<semaphore_mem>>) src(%dma_wait3A_193 : memref<1x128xi32, #tpu.memory_space<hbm>>) dst(%arg10 : memref<1x128xi32, #tpu.memory_space<vmem>>)
            tpu.yield
          }) : () -> ()
        } else {
        }
        %dma_start3A_141 = arith.constant 0 : i32
        %dma_start3A_142 = tpu.memref_slice %arg9[%mul3A_110, %dma_start3A_141] : memref<16x128xi32, #tpu.memory_space<vmem>> -> memref<1x128xi32, #tpu.memory_space<vmem>>
        %dma_start3A_143 = tpu.memref_squeeze %dma_start3A_142 : memref<1x128xi32, #tpu.memory_space<vmem>> -> memref<128xi32, #tpu.memory_space<vmem>>
        %dma_start3A_144 = arith.constant 0 : i32
        %dma_start3A_145 = arith.constant 0 : i32
        %dma_start3A_146 = tpu.memref_slice %arg14[%dma_start3A_144, %dma_start3A_145] : memref<10112x128xf32, #tpu.memory_space<vmem_shared>> -> memref<10112x128xf32, #tpu.memory_space<vmem_shared>>
        tpu.enqueue_indirect_dma source(%arg11 : memref<128x128xf32, #tpu.memory_space<vmem>>) target(%dma_start3A_146 : memref<10112x128xf32, #tpu.memory_space<vmem_shared>>) offsets(%dma_start3A_143 : memref<128xi32, #tpu.memory_space<vmem>>) semaphore(%arg17 : memref<!tpu.dma_semaphore, #tpu.memory_space<semaphore_mem>>) {add = true}
        %scan3A_147 = arith.constant 0 : i32
        %scan3A_148 = arith.constant 0 : i32
        %scan3A_149 = arith.constant 8 : i32
        %scan3A_150 = arith.addi %scan3A_148, %scan3A_149 : i32
        %scan3A_151 = arith.constant 1 : i32
        scf.for %scan3A_184 = %scan3A_148 to %scan3A_150 step %scan3A_151  : i32 {
          %mul3A_185 = arith.constant 16 : i32
          %mul3A_186 = arith.muli %scan3A_184, %mul3A_185 : i32
          %get3A = arith.index_cast %add3A_114 : i32 to index
          %get3A_187 = arith.index_cast %mul3A_186 : i32 to index
          %get3A_188 = tpu.vector_load %arg9[%get3A, %get3A_187] {strides = array<i32>} : memref<16x128xi32, #tpu.memory_space<vmem>>, vector<16xi32>,
          tpu.vector_store_idx %arg13[%get3A_188], %broadcast_in_dim3A_64 masked %eq3A_17 {add = true} : memref<10240xf32, #tpu.memory_space<vmem>>[vector<16xi32>], vector<16xf32>, vector<16xi1>
          tpu.vector_store_idx %arg13[%get3A_188], %broadcast_in_dim3A_64 masked %eq3A_20 {add = true} : memref<10240xf32, #tpu.memory_space<vmem>>[vector<16xi32>], vector<16xf32>, vector<16xi1>
          tpu.vector_store_idx %arg13[%get3A_188], %broadcast_in_dim3A_64 masked %eq3A_23 {add = true} : memref<10240xf32, #tpu.memory_space<vmem>>[vector<16xi32>], vector<16xf32>, vector<16xi1>
          tpu.vector_store_idx %arg13[%get3A_188], %broadcast_in_dim3A_64 masked %eq3A_26 {add = true} : memref<10240xf32, #tpu.memory_space<vmem>>[vector<16xi32>], vector<16xf32>, vector<16xi1>
          tpu.vector_store_idx %arg13[%get3A_188], %broadcast_in_dim3A_64 masked %eq3A_29 {add = true} : memref<10240xf32, #tpu.memory_space<vmem>>[vector<16xi32>], vector<16xf32>, vector<16xi1>
          tpu.vector_store_idx %arg13[%get3A_188], %broadcast_in_dim3A_64 masked %eq3A_32 {add = true} : memref<10240xf32, #tpu.memory_space<vmem>>[vector<16xi32>], vector<16xf32>, vector<16xi1>
          tpu.vector_store_idx %arg13[%get3A_188], %broadcast_in_dim3A_64 masked %eq3A_35 {add = true} : memref<10240xf32, #tpu.memory_space<vmem>>[vector<16xi32>], vector<16xf32>, vector<16xi1>
          tpu.vector_store_idx %arg13[%get3A_188], %broadcast_in_dim3A_64 masked %eq3A_38 {add = true} : memref<10240xf32, #tpu.memory_space<vmem>>[vector<16xi32>], vector<16xf32>, vector<16xi1>
          tpu.vector_store_idx %arg13[%get3A_188], %broadcast_in_dim3A_64 masked %eq3A_41 {add = true} : memref<10240xf32, #tpu.memory_space<vmem>>[vector<16xi32>], vector<16xf32>, vector<16xi1>
          tpu.vector_store_idx %arg13[%get3A_188], %broadcast_in_dim3A_64 masked %eq3A_44 {add = true} : memref<10240xf32, #tpu.memory_space<vmem>>[vector<16xi32>], vector<16xf32>, vector<16xi1>
          tpu.vector_store_idx %arg13[%get3A_188], %broadcast_in_dim3A_64 masked %eq3A_47 {add = true} : memref<10240xf32, #tpu.memory_space<vmem>>[vector<16xi32>], vector<16xf32>, vector<16xi1>
          tpu.vector_store_idx %arg13[%get3A_188], %broadcast_in_dim3A_64 masked %eq3A_50 {add = true} : memref<10240xf32, #tpu.memory_space<vmem>>[vector<16xi32>], vector<16xf32>, vector<16xi1>
          tpu.vector_store_idx %arg13[%get3A_188], %broadcast_in_dim3A_64 masked %eq3A_53 {add = true} : memref<10240xf32, #tpu.memory_space<vmem>>[vector<16xi32>], vector<16xf32>, vector<16xi1>
          tpu.vector_store_idx %arg13[%get3A_188], %broadcast_in_dim3A_64 masked %eq3A_56 {add = true} : memref<10240xf32, #tpu.memory_space<vmem>>[vector<16xi32>], vector<16xf32>, vector<16xi1>
          tpu.vector_store_idx %arg13[%get3A_188], %broadcast_in_dim3A_64 masked %eq3A_59 {add = true} : memref<10240xf32, #tpu.memory_space<vmem>>[vector<16xi32>], vector<16xf32>, vector<16xi1>
          tpu.vector_store_idx %arg13[%get3A_188], %broadcast_in_dim3A_64 masked %eq3A_62 {add = true} : memref<10240xf32, #tpu.memory_space<vmem>>[vector<16xi32>], vector<16xf32>, vector<16xi1>
        }
        %scan3A_152 = arith.constant 8 : i32
        %dma_wait3A_153 = arith.constant 0 : i32
        %dma_wait3A_154 = tpu.memref_slice %arg9[%mul3A_110, %dma_wait3A_153] : memref<16x128xi32, #tpu.memory_space<vmem>> -> memref<1x128xi32, #tpu.memory_space<vmem>>
        %dma_wait3A_155 = tpu.memref_squeeze %dma_wait3A_154 : memref<1x128xi32, #tpu.memory_space<vmem>> -> memref<128xi32, #tpu.memory_space<vmem>>
        %dma_wait3A_156 = arith.constant 0 : i32
        %dma_wait3A_157 = arith.constant 0 : i32
        %dma_wait3A_158 = tpu.memref_slice %arg14[%dma_wait3A_156, %dma_wait3A_157] : memref<10112x128xf32, #tpu.memory_space<vmem_shared>> -> memref<10112x128xf32, #tpu.memory_space<vmem_shared>>
        tpu.wait_indirect_dma semaphore(%arg17 : memref<!tpu.dma_semaphore, #tpu.memory_space<semaphore_mem>>) src(%arg11 : memref<128x128xf32, #tpu.memory_space<vmem>>) dst(%dma_wait3A_158 : memref<10112x128xf32, #tpu.memory_space<vmem_shared>>)
        %lt3A_159 = arith.constant 7 : i32
        %lt3A_160 = arith.cmpi slt, %scan3A_108, %lt3A_159 : i32
        %convert_element_type3A_161 = arith.extui %lt3A_160 : i1 to i32
        %cond3A_162 = arith.constant 0 : i32
        %cond3A_163 = arith.cmpi ne, %convert_element_type3A_161, %cond3A_162 : i32
        scf.if %cond3A_163 {
          %add3A_184 = arith.constant 2 : i32
          %add3A_185 = arith.addi %mul3A_110, %add3A_184 : i32
          %dma_start3A_186 = arith.constant 0 : i32
          %dma_start3A_187 = tpu.memref_slice %arg8[%add3A_185, %dma_start3A_186] : memref<16x128xi32, #tpu.memory_space<vmem>> -> memref<1x128xi32, #tpu.memory_space<vmem>>
          %dma_start3A_188 = tpu.memref_squeeze %dma_start3A_187 : memref<1x128xi32, #tpu.memory_space<vmem>> -> memref<128xi32, #tpu.memory_space<vmem>>
          %dma_start3A_189 = arith.constant 0 : i32
          %dma_start3A_190 = arith.constant 0 : i32
          %dma_start3A_191 = tpu.memref_slice %arg2[%dma_start3A_189, %dma_start3A_190] : memref<20000x128xf32, #tpu.memory_space<hbm>> -> memref<20000x128xf32, #tpu.memory_space<hbm>>
          tpu.enqueue_indirect_dma source(%dma_start3A_191 : memref<20000x128xf32, #tpu.memory_space<hbm>>) target(%arg11 : memref<128x128xf32, #tpu.memory_space<vmem>>) offsets(%dma_start3A_188 : memref<128xi32, #tpu.memory_space<vmem>>) semaphore(%arg15 : memref<!tpu.dma_semaphore, #tpu.memory_space<semaphore_mem>>)
        } else {
        }
        %eq3A_164 = arith.constant 7 : i32
        %eq3A_165 = arith.cmpi eq, %scan3A_108, %eq3A_164 : i32
        %lt3A_166 = arith.constant 9 : i32
        %lt3A_167 = arith.cmpi slt, %scan3A_93, %lt3A_166 : i32
        %and3A_168 = arith.andi %eq3A_165, %lt3A_167 : i1
        %convert_element_type3A_169 = arith.extui %and3A_168 : i1 to i32
        %cond3A_170 = arith.constant 0 : i32
        %cond3A_171 = arith.cmpi ne, %convert_element_type3A_169, %cond3A_170 : i32
        scf.if %cond3A_171 {
          %dma_start3A_184 = arith.constant 0 : i32
          %dma_start3A_185 = arith.constant 0 : i32
          %dma_start3A_186 = tpu.memref_slice %arg10[%dma_start3A_184, %dma_start3A_185] : memref<1x128xi32, #tpu.memory_space<vmem>> -> memref<1x128xi32, #tpu.memory_space<vmem>>
          %dma_start3A_187 = tpu.memref_squeeze %dma_start3A_186 : memref<1x128xi32, #tpu.memory_space<vmem>> -> memref<128xi32, #tpu.memory_space<vmem>>
          %dma_start3A_188 = arith.constant 0 : i32
          %dma_start3A_189 = arith.constant 0 : i32
          %dma_start3A_190 = tpu.memref_slice %arg2[%dma_start3A_188, %dma_start3A_189] : memref<20000x128xf32, #tpu.memory_space<hbm>> -> memref<20000x128xf32, #tpu.memory_space<hbm>>
          tpu.enqueue_indirect_dma source(%dma_start3A_190 : memref<20000x128xf32, #tpu.memory_space<hbm>>) target(%arg11 : memref<128x128xf32, #tpu.memory_space<vmem>>) offsets(%dma_start3A_187 : memref<128xi32, #tpu.memory_space<vmem>>) semaphore(%arg15 : memref<!tpu.dma_semaphore, #tpu.memory_space<semaphore_mem>>)
        } else {
        }
        %dma_wait3A_172 = arith.constant 0 : i32
        %dma_wait3A_173 = tpu.memref_slice %arg8[%add3A_114, %dma_wait3A_172] : memref<16x128xi32, #tpu.memory_space<vmem>> -> memref<1x128xi32, #tpu.memory_space<vmem>>
        %dma_wait3A_174 = tpu.memref_squeeze %dma_wait3A_173 : memref<1x128xi32, #tpu.memory_space<vmem>> -> memref<128xi32, #tpu.memory_space<vmem>>
        %dma_wait3A_175 = arith.constant 0 : i32
        %dma_wait3A_176 = arith.constant 0 : i32
        %dma_wait3A_177 = tpu.memref_slice %arg2[%dma_wait3A_175, %dma_wait3A_176] : memref<20000x128xf32, #tpu.memory_space<hbm>> -> memref<20000x128xf32, #tpu.memory_space<hbm>>
        tpu.wait_indirect_dma semaphore(%arg16 : memref<!tpu.dma_semaphore, #tpu.memory_space<semaphore_mem>>) src(%dma_wait3A_177 : memref<20000x128xf32, #tpu.memory_space<hbm>>) dst(%arg12 : memref<128x128xf32, #tpu.memory_space<vmem>>)
        %dma_start3A_178 = arith.constant 0 : i32
        %dma_start3A_179 = tpu.memref_slice %arg9[%add3A_114, %dma_start3A_178] : memref<16x128xi32, #tpu.memory_space<vmem>> -> memref<1x128xi32, #tpu.memory_space<vmem>>
        %dma_start3A_180 = tpu.memref_squeeze %dma_start3A_179 : memref<1x128xi32, #tpu.memory_space<vmem>> -> memref<128xi32, #tpu.memory_space<vmem>>
        %dma_start3A_181 = arith.constant 0 : i32
        %dma_start3A_182 = arith.constant 0 : i32
        %dma_start3A_183 = tpu.memref_slice %arg14[%dma_start3A_181, %dma_start3A_182] : memref<10112x128xf32, #tpu.memory_space<vmem_shared>> -> memref<10112x128xf32, #tpu.memory_space<vmem_shared>>
        tpu.enqueue_indirect_dma source(%arg12 : memref<128x128xf32, #tpu.memory_space<vmem>>) target(%dma_start3A_183 : memref<10112x128xf32, #tpu.memory_space<vmem_shared>>) offsets(%dma_start3A_180 : memref<128xi32, #tpu.memory_space<vmem>>) semaphore(%arg18 : memref<!tpu.dma_semaphore, #tpu.memory_space<semaphore_mem>>) {add = true}
      }
      %scan3A_101 = arith.constant 8 : i32
      %dma_wait3A = arith.constant 15 : i32
      %dma_wait3A_102 = arith.constant 0 : i32
      %dma_wait3A_103 = tpu.memref_slice %arg9[%dma_wait3A, %dma_wait3A_102] : memref<16x128xi32, #tpu.memory_space<vmem>> -> memref<1x128xi32, #tpu.memory_space<vmem>>
      %dma_wait3A_104 = tpu.memref_squeeze %dma_wait3A_103 : memref<1x128xi32, #tpu.memory_space<vmem>> -> memref<128xi32, #tpu.memory_space<vmem>>
      %dma_wait3A_105 = arith.constant 0 : i32
      %dma_wait3A_106 = arith.constant 0 : i32
      %dma_wait3A_107 = tpu.memref_slice %arg14[%dma_wait3A_105, %dma_wait3A_106] : memref<10112x128xf32, #tpu.memory_space<vmem_shared>> -> memref<10112x128xf32, #tpu.memory_space<vmem_shared>>
      tpu.wait_indirect_dma semaphore(%arg18 : memref<!tpu.dma_semaphore, #tpu.memory_space<semaphore_mem>>) src(%arg12 : memref<128x128xf32, #tpu.memory_space<vmem>>) dst(%dma_wait3A_107 : memref<10112x128xf32, #tpu.memory_space<vmem_shared>>)
    }
    %scan3A_81 = arith.constant 10 : i32
    %barrier3A_82 = arith.constant 0 : index
    tpu.barrier barrier_id(%barrier3A_82)
    %add3A_83 = arith.constant 0 : i32
    %add3A_84 = arith.addi %mul3A_0, %add3A_83 : i32
    "tpu.region"() ({
      %run_scoped3A = tpu.sem_alloc : memref<!tpu.dma_semaphore, #tpu.memory_space<semaphore_mem>>
      %dma_start3A_93 = arith.constant 0 : i32
      %dma_start3A_94 = tpu.memref_slice %arg14[%add3A_84, %dma_start3A_93] : memref<10112x128xf32, #tpu.memory_space<vmem_shared>> -> memref<128x128xf32, #tpu.memory_space<vmem_shared>>
      %dma_start3A_95 = arith.constant 0 : i32
      %dma_start3A_96 = tpu.memref_slice %arg14[%add3A_84, %dma_start3A_95] : memref<10112x128xf32, #tpu.memory_space<vmem_shared>> -> memref<128x128xf32, #tpu.memory_space<vmem_shared>>
      tpu.enqueue_dma source(%dma_start3A_96 : memref<128x128xf32, #tpu.memory_space<vmem_shared>>) target(%arg11 : memref<128x128xf32, #tpu.memory_space<vmem>>) target_semaphore(%run_scoped3A : memref<!tpu.dma_semaphore, #tpu.memory_space<semaphore_mem>>)
      %dma_wait3A = arith.constant 0 : i32
      %dma_wait3A_97 = tpu.memref_slice %arg14[%add3A_84, %dma_wait3A] : memref<10112x128xf32, #tpu.memory_space<vmem_shared>> -> memref<128x128xf32, #tpu.memory_space<vmem_shared>>
      %dma_wait3A_98 = arith.constant 0 : i32
      %dma_wait3A_99 = tpu.memref_slice %arg14[%add3A_84, %dma_wait3A_98] : memref<10112x128xf32, #tpu.memory_space<vmem_shared>> -> memref<128x128xf32, #tpu.memory_space<vmem_shared>>
      tpu.wait_dma2 semaphore(%run_scoped3A : memref<!tpu.dma_semaphore, #tpu.memory_space<semaphore_mem>>) src(%dma_wait3A_99 : memref<128x128xf32, #tpu.memory_space<vmem_shared>>) dst(%arg11 : memref<128x128xf32, #tpu.memory_space<vmem>>)
      tpu.yield
    }) : () -> ()
    "tpu.region"() ({
      %run_scoped3A = tpu.sem_alloc : memref<!tpu.dma_semaphore, #tpu.memory_space<semaphore_mem>>
      %dma_start3A_93 = arith.constant 0 : i32
      %dma_start3A_94 = tpu.memref_slice %arg6[%arg0, %add3A_84, %dma_start3A_93] : memref<2x10112x128xf32, #tpu.memory_space<hbm>> -> memref<1x128x128xf32, #tpu.memory_space<hbm>>
      %dma_start3A_95 = tpu.memref_squeeze %dma_start3A_94 : memref<1x128x128xf32, #tpu.memory_space<hbm>> -> memref<128x128xf32, #tpu.memory_space<hbm>>
      %dma_start3A_96 = arith.constant 0 : i32
      %dma_start3A_97 = tpu.memref_slice %arg6[%arg0, %add3A_84, %dma_start3A_96] : memref<2x10112x128xf32, #tpu.memory_space<hbm>> -> memref<1x128x128xf32, #tpu.memory_space<hbm>>
      %dma_start3A_98 = tpu.memref_squeeze %dma_start3A_97 : memref<1x128x128xf32, #tpu.memory_space<hbm>> -> memref<128x128xf32, #tpu.memory_space<hbm>>
      tpu.enqueue_dma source(%arg11 : memref<128x128xf32, #tpu.memory_space<vmem>>) target(%dma_start3A_98 : memref<128x128xf32, #tpu.memory_space<hbm>>) target_semaphore(%run_scoped3A : memref<!tpu.dma_semaphore, #tpu.memory_space<semaphore_mem>>)
      %dma_wait3A = arith.constant 0 : i32
      %dma_wait3A_99 = tpu.memref_slice %arg6[%arg0, %add3A_84, %dma_wait3A] : memref<2x10112x128xf32, #tpu.memory_space<hbm>> -> memref<1x128x128xf32, #tpu.memory_space<hbm>>
      %dma_wait3A_100 = tpu.memref_squeeze %dma_wait3A_99 : memref<1x128x128xf32, #tpu.memory_space<hbm>> -> memref<128x128xf32, #tpu.memory_space<hbm>>
      %dma_wait3A_101 = arith.constant 0 : i32
      %dma_wait3A_102 = tpu.memref_slice %arg6[%arg0, %add3A_84, %dma_wait3A_101] : memref<2x10112x128xf32, #tpu.memory_space<hbm>> -> memref<1x128x128xf32, #tpu.memory_space<hbm>>
      %dma_wait3A_103 = tpu.memref_squeeze %dma_wait3A_102 : memref<1x128x128xf32, #tpu.memory_space<hbm>> -> memref<128x128xf32, #tpu.memory_space<hbm>>
      tpu.wait_dma2 semaphore(%run_scoped3A : memref<!tpu.dma_semaphore, #tpu.memory_space<semaphore_mem>>) src(%arg11 : memref<128x128xf32, #tpu.memory_space<vmem>>) dst(%dma_wait3A_103 : memref<128x128xf32, #tpu.memory_space<hbm>>)
      tpu.yield
    }) : () -> ()
    %add3A_85 = arith.constant 128 : i32
    %add3A_86 = arith.addi %mul3A_0, %add3A_85 : i32
    "tpu.region"() ({
      %run_scoped3A = tpu.sem_alloc : memref<!tpu.dma_semaphore, #tpu.memory_space<semaphore_mem>>
      %dma_start3A_93 = arith.constant 0 : i32
      %dma_start3A_94 = tpu.memref_slice %arg14[%add3A_86, %dma_start3A_93] : memref<10112x128xf32, #tpu.memory_space<vmem_shared>> -> memref<128x128xf32, #tpu.memory_space<vmem_shared>>
      %dma_start3A_95 = arith.constant 0 : i32
      %dma_start3A_96 = tpu.memref_slice %arg14[%add3A_86, %dma_start3A_95] : memref<10112x128xf32, #tpu.memory_space<vmem_shared>> -> memref<128x128xf32, #tpu.memory_space<vmem_shared>>
      tpu.enqueue_dma source(%dma_start3A_96 : memref<128x128xf32, #tpu.memory_space<vmem_shared>>) target(%arg11 : memref<128x128xf32, #tpu.memory_space<vmem>>) target_semaphore(%run_scoped3A : memref<!tpu.dma_semaphore, #tpu.memory_space<semaphore_mem>>)
      %dma_wait3A = arith.constant 0 : i32
      %dma_wait3A_97 = tpu.memref_slice %arg14[%add3A_86, %dma_wait3A] : memref<10112x128xf32, #tpu.memory_space<vmem_shared>> -> memref<128x128xf32, #tpu.memory_space<vmem_shared>>
      %dma_wait3A_98 = arith.constant 0 : i32
      %dma_wait3A_99 = tpu.memref_slice %arg14[%add3A_86, %dma_wait3A_98] : memref<10112x128xf32, #tpu.memory_space<vmem_shared>> -> memref<128x128xf32, #tpu.memory_space<vmem_shared>>
      tpu.wait_dma2 semaphore(%run_scoped3A : memref<!tpu.dma_semaphore, #tpu.memory_space<semaphore_mem>>) src(%dma_wait3A_99 : memref<128x128xf32, #tpu.memory_space<vmem_shared>>) dst(%arg11 : memref<128x128xf32, #tpu.memory_space<vmem>>)
      tpu.yield
    }) : () -> ()
    "tpu.region"() ({
      %run_scoped3A = tpu.sem_alloc : memref<!tpu.dma_semaphore, #tpu.memory_space<semaphore_mem>>
      %dma_start3A_93 = arith.constant 0 : i32
      %dma_start3A_94 = tpu.memref_slice %arg6[%arg0, %add3A_86, %dma_start3A_93] : memref<2x10112x128xf32, #tpu.memory_space<hbm>> -> memref<1x128x128xf32, #tpu.memory_space<hbm>>
      %dma_start3A_95 = tpu.memref_squeeze %dma_start3A_94 : memref<1x128x128xf32, #tpu.memory_space<hbm>> -> memref<128x128xf32, #tpu.memory_space<hbm>>
      %dma_start3A_96 = arith.constant 0 : i32
      %dma_start3A_97 = tpu.memref_slice %arg6[%arg0, %add3A_86, %dma_start3A_96] : memref<2x10112x128xf32, #tpu.memory_space<hbm>> -> memref<1x128x128xf32, #tpu.memory_space<hbm>>
      %dma_start3A_98 = tpu.memref_squeeze %dma_start3A_97 : memref<1x128x128xf32, #tpu.memory_space<hbm>> -> memref<128x128xf32, #tpu.memory_space<hbm>>
      tpu.enqueue_dma source(%arg11 : memref<128x128xf32, #tpu.memory_space<vmem>>) target(%dma_start3A_98 : memref<128x128xf32, #tpu.memory_space<hbm>>) target_semaphore(%run_scoped3A : memref<!tpu.dma_semaphore, #tpu.memory_space<semaphore_mem>>)
      %dma_wait3A = arith.constant 0 : i32
      %dma_wait3A_99 = tpu.memref_slice %arg6[%arg0, %add3A_86, %dma_wait3A] : memref<2x10112x128xf32, #tpu.memory_space<hbm>> -> memref<1x128x128xf32, #tpu.memory_space<hbm>>
      %dma_wait3A_100 = tpu.memref_squeeze %dma_wait3A_99 : memref<1x128x128xf32, #tpu.memory_space<hbm>> -> memref<128x128xf32, #tpu.memory_space<hbm>>
      %dma_wait3A_101 = arith.constant 0 : i32
      %dma_wait3A_102 = tpu.memref_slice %arg6[%arg0, %add3A_86, %dma_wait3A_101] : memref<2x10112x128xf32, #tpu.memory_space<hbm>> -> memref<1x128x128xf32, #tpu.memory_space<hbm>>
      %dma_wait3A_103 = tpu.memref_squeeze %dma_wait3A_102 : memref<1x128x128xf32, #tpu.memory_space<hbm>> -> memref<128x128xf32, #tpu.memory_space<hbm>>
      tpu.wait_dma2 semaphore(%run_scoped3A : memref<!tpu.dma_semaphore, #tpu.memory_space<semaphore_mem>>) src(%arg11 : memref<128x128xf32, #tpu.memory_space<vmem>>) dst(%dma_wait3A_103 : memref<128x128xf32, #tpu.memory_space<hbm>>)
      tpu.yield
    }) : () -> ()
    %add3A_87 = arith.constant 256 : i32
    %add3A_88 = arith.addi %mul3A_0, %add3A_87 : i32
    "tpu.region"() ({
      %run_scoped3A = tpu.sem_alloc : memref<!tpu.dma_semaphore, #tpu.memory_space<semaphore_mem>>
      %dma_start3A_93 = arith.constant 0 : i32
      %dma_start3A_94 = tpu.memref_slice %arg14[%add3A_88, %dma_start3A_93] : memref<10112x128xf32, #tpu.memory_space<vmem_shared>> -> memref<128x128xf32, #tpu.memory_space<vmem_shared>>
      %dma_start3A_95 = arith.constant 0 : i32
      %dma_start3A_96 = tpu.memref_slice %arg14[%add3A_88, %dma_start3A_95] : memref<10112x128xf32, #tpu.memory_space<vmem_shared>> -> memref<128x128xf32, #tpu.memory_space<vmem_shared>>
      tpu.enqueue_dma source(%dma_start3A_96 : memref<128x128xf32, #tpu.memory_space<vmem_shared>>) target(%arg11 : memref<128x128xf32, #tpu.memory_space<vmem>>) target_semaphore(%run_scoped3A : memref<!tpu.dma_semaphore, #tpu.memory_space<semaphore_mem>>)
      %dma_wait3A = arith.constant 0 : i32
      %dma_wait3A_97 = tpu.memref_slice %arg14[%add3A_88, %dma_wait3A] : memref<10112x128xf32, #tpu.memory_space<vmem_shared>> -> memref<128x128xf32, #tpu.memory_space<vmem_shared>>
      %dma_wait3A_98 = arith.constant 0 : i32
      %dma_wait3A_99 = tpu.memref_slice %arg14[%add3A_88, %dma_wait3A_98] : memref<10112x128xf32, #tpu.memory_space<vmem_shared>> -> memref<128x128xf32, #tpu.memory_space<vmem_shared>>
      tpu.wait_dma2 semaphore(%run_scoped3A : memref<!tpu.dma_semaphore, #tpu.memory_space<semaphore_mem>>) src(%dma_wait3A_99 : memref<128x128xf32, #tpu.memory_space<vmem_shared>>) dst(%arg11 : memref<128x128xf32, #tpu.memory_space<vmem>>)
      tpu.yield
    }) : () -> ()
    "tpu.region"() ({
      %run_scoped3A = tpu.sem_alloc : memref<!tpu.dma_semaphore, #tpu.memory_space<semaphore_mem>>
      %dma_start3A_93 = arith.constant 0 : i32
      %dma_start3A_94 = tpu.memref_slice %arg6[%arg0, %add3A_88, %dma_start3A_93] : memref<2x10112x128xf32, #tpu.memory_space<hbm>> -> memref<1x128x128xf32, #tpu.memory_space<hbm>>
      %dma_start3A_95 = tpu.memref_squeeze %dma_start3A_94 : memref<1x128x128xf32, #tpu.memory_space<hbm>> -> memref<128x128xf32, #tpu.memory_space<hbm>>
      %dma_start3A_96 = arith.constant 0 : i32
      %dma_start3A_97 = tpu.memref_slice %arg6[%arg0, %add3A_88, %dma_start3A_96] : memref<2x10112x128xf32, #tpu.memory_space<hbm>> -> memref<1x128x128xf32, #tpu.memory_space<hbm>>
      %dma_start3A_98 = tpu.memref_squeeze %dma_start3A_97 : memref<1x128x128xf32, #tpu.memory_space<hbm>> -> memref<128x128xf32, #tpu.memory_space<hbm>>
      tpu.enqueue_dma source(%arg11 : memref<128x128xf32, #tpu.memory_space<vmem>>) target(%dma_start3A_98 : memref<128x128xf32, #tpu.memory_space<hbm>>) target_semaphore(%run_scoped3A : memref<!tpu.dma_semaphore, #tpu.memory_space<semaphore_mem>>)
      %dma_wait3A = arith.constant 0 : i32
      %dma_wait3A_99 = tpu.memref_slice %arg6[%arg0, %add3A_88, %dma_wait3A] : memref<2x10112x128xf32, #tpu.memory_space<hbm>> -> memref<1x128x128xf32, #tpu.memory_space<hbm>>
      %dma_wait3A_100 = tpu.memref_squeeze %dma_wait3A_99 : memref<1x128x128xf32, #tpu.memory_space<hbm>> -> memref<128x128xf32, #tpu.memory_space<hbm>>
      %dma_wait3A_101 = arith.constant 0 : i32
      %dma_wait3A_102 = tpu.memref_slice %arg6[%arg0, %add3A_88, %dma_wait3A_101] : memref<2x10112x128xf32, #tpu.memory_space<hbm>> -> memref<1x128x128xf32, #tpu.memory_space<hbm>>
      %dma_wait3A_103 = tpu.memref_squeeze %dma_wait3A_102 : memref<1x128x128xf32, #tpu.memory_space<hbm>> -> memref<128x128xf32, #tpu.memory_space<hbm>>
      tpu.wait_dma2 semaphore(%run_scoped3A : memref<!tpu.dma_semaphore, #tpu.memory_space<semaphore_mem>>) src(%arg11 : memref<128x128xf32, #tpu.memory_space<vmem>>) dst(%dma_wait3A_103 : memref<128x128xf32, #tpu.memory_space<hbm>>)
      tpu.yield
    }) : () -> ()
    %add3A_89 = arith.constant 384 : i32
    %add3A_90 = arith.addi %mul3A_0, %add3A_89 : i32
    "tpu.region"() ({
      %run_scoped3A = tpu.sem_alloc : memref<!tpu.dma_semaphore, #tpu.memory_space<semaphore_mem>>
      %dma_start3A_93 = arith.constant 0 : i32
      %dma_start3A_94 = tpu.memref_slice %arg14[%add3A_90, %dma_start3A_93] : memref<10112x128xf32, #tpu.memory_space<vmem_shared>> -> memref<128x128xf32, #tpu.memory_space<vmem_shared>>
      %dma_start3A_95 = arith.constant 0 : i32
      %dma_start3A_96 = tpu.memref_slice %arg14[%add3A_90, %dma_start3A_95] : memref<10112x128xf32, #tpu.memory_space<vmem_shared>> -> memref<128x128xf32, #tpu.memory_space<vmem_shared>>
      tpu.enqueue_dma source(%dma_start3A_96 : memref<128x128xf32, #tpu.memory_space<vmem_shared>>) target(%arg11 : memref<128x128xf32, #tpu.memory_space<vmem>>) target_semaphore(%run_scoped3A : memref<!tpu.dma_semaphore, #tpu.memory_space<semaphore_mem>>)
      %dma_wait3A = arith.constant 0 : i32
      %dma_wait3A_97 = tpu.memref_slice %arg14[%add3A_90, %dma_wait3A] : memref<10112x128xf32, #tpu.memory_space<vmem_shared>> -> memref<128x128xf32, #tpu.memory_space<vmem_shared>>
      %dma_wait3A_98 = arith.constant 0 : i32
      %dma_wait3A_99 = tpu.memref_slice %arg14[%add3A_90, %dma_wait3A_98] : memref<10112x128xf32, #tpu.memory_space<vmem_shared>> -> memref<128x128xf32, #tpu.memory_space<vmem_shared>>
      tpu.wait_dma2 semaphore(%run_scoped3A : memref<!tpu.dma_semaphore, #tpu.memory_space<semaphore_mem>>) src(%dma_wait3A_99 : memref<128x128xf32, #tpu.memory_space<vmem_shared>>) dst(%arg11 : memref<128x128xf32, #tpu.memory_space<vmem>>)
      tpu.yield
    }) : () -> ()
    "tpu.region"() ({
      %run_scoped3A = tpu.sem_alloc : memref<!tpu.dma_semaphore, #tpu.memory_space<semaphore_mem>>
      %dma_start3A_93 = arith.constant 0 : i32
      %dma_start3A_94 = tpu.memref_slice %arg6[%arg0, %add3A_90, %dma_start3A_93] : memref<2x10112x128xf32, #tpu.memory_space<hbm>> -> memref<1x128x128xf32, #tpu.memory_space<hbm>>
      %dma_start3A_95 = tpu.memref_squeeze %dma_start3A_94 : memref<1x128x128xf32, #tpu.memory_space<hbm>> -> memref<128x128xf32, #tpu.memory_space<hbm>>
      %dma_start3A_96 = arith.constant 0 : i32
      %dma_start3A_97 = tpu.memref_slice %arg6[%arg0, %add3A_90, %dma_start3A_96] : memref<2x10112x128xf32, #tpu.memory_space<hbm>> -> memref<1x128x128xf32, #tpu.memory_space<hbm>>
      %dma_start3A_98 = tpu.memref_squeeze %dma_start3A_97 : memref<1x128x128xf32, #tpu.memory_space<hbm>> -> memref<128x128xf32, #tpu.memory_space<hbm>>
      tpu.enqueue_dma source(%arg11 : memref<128x128xf32, #tpu.memory_space<vmem>>) target(%dma_start3A_98 : memref<128x128xf32, #tpu.memory_space<hbm>>) target_semaphore(%run_scoped3A : memref<!tpu.dma_semaphore, #tpu.memory_space<semaphore_mem>>)
      %dma_wait3A = arith.constant 0 : i32
      %dma_wait3A_99 = tpu.memref_slice %arg6[%arg0, %add3A_90, %dma_wait3A] : memref<2x10112x128xf32, #tpu.memory_space<hbm>> -> memref<1x128x128xf32, #tpu.memory_space<hbm>>
      %dma_wait3A_100 = tpu.memref_squeeze %dma_wait3A_99 : memref<1x128x128xf32, #tpu.memory_space<hbm>> -> memref<128x128xf32, #tpu.memory_space<hbm>>
      %dma_wait3A_101 = arith.constant 0 : i32
      %dma_wait3A_102 = tpu.memref_slice %arg6[%arg0, %add3A_90, %dma_wait3A_101] : memref<2x10112x128xf32, #tpu.memory_space<hbm>> -> memref<1x128x128xf32, #tpu.memory_space<hbm>>
      %dma_wait3A_103 = tpu.memref_squeeze %dma_wait3A_102 : memref<1x128x128xf32, #tpu.memory_space<hbm>> -> memref<128x128xf32, #tpu.memory_space<hbm>>
      tpu.wait_dma2 semaphore(%run_scoped3A : memref<!tpu.dma_semaphore, #tpu.memory_space<semaphore_mem>>) src(%arg11 : memref<128x128xf32, #tpu.memory_space<vmem>>) dst(%dma_wait3A_103 : memref<128x128xf32, #tpu.memory_space<hbm>>)
      tpu.yield
    }) : () -> ()
    %add3A_91 = arith.constant 512 : i32
    %add3A_92 = arith.addi %mul3A_0, %add3A_91 : i32
    "tpu.region"() ({
      %run_scoped3A = tpu.sem_alloc : memref<!tpu.dma_semaphore, #tpu.memory_space<semaphore_mem>>
      %dma_start3A_93 = arith.constant 0 : i32
      %dma_start3A_94 = arith.constant 0 : i32
      %dma_start3A_95 = tpu.memref_slice %arg11[%dma_start3A_93, %dma_start3A_94] : memref<128x128xf32, #tpu.memory_space<vmem>> -> memref<120x128xf32, #tpu.memory_space<vmem>>
      %dma_start3A_96 = arith.constant 0 : i32
      %dma_start3A_97 = tpu.memref_slice %arg14[%add3A_92, %dma_start3A_96] : memref<10112x128xf32, #tpu.memory_space<vmem_shared>> -> memref<120x128xf32, #tpu.memory_space<vmem_shared>>
      %dma_start3A_98 = arith.constant 0 : i32
      %dma_start3A_99 = arith.constant 0 : i32
      %dma_start3A_100 = tpu.memref_slice %arg11[%dma_start3A_98, %dma_start3A_99] : memref<128x128xf32, #tpu.memory_space<vmem>> -> memref<120x128xf32, #tpu.memory_space<vmem>>
      %dma_start3A_101 = arith.constant 0 : i32
      %dma_start3A_102 = tpu.memref_slice %arg14[%add3A_92, %dma_start3A_101] : memref<10112x128xf32, #tpu.memory_space<vmem_shared>> -> memref<120x128xf32, #tpu.memory_space<vmem_shared>>
      tpu.enqueue_dma source(%dma_start3A_102 : memref<120x128xf32, #tpu.memory_space<vmem_shared>>) target(%dma_start3A_100 : memref<120x128xf32, #tpu.memory_space<vmem>>) target_semaphore(%run_scoped3A : memref<!tpu.dma_semaphore, #tpu.memory_space<semaphore_mem>>)
      %dma_wait3A = arith.constant 0 : i32
      %dma_wait3A_103 = arith.constant 0 : i32
      %dma_wait3A_104 = tpu.memref_slice %arg11[%dma_wait3A, %dma_wait3A_103] : memref<128x128xf32, #tpu.memory_space<vmem>> -> memref<120x128xf32, #tpu.memory_space<vmem>>
      %dma_wait3A_105 = arith.constant 0 : i32
      %dma_wait3A_106 = tpu.memref_slice %arg14[%add3A_92, %dma_wait3A_105] : memref<10112x128xf32, #tpu.memory_space<vmem_shared>> -> memref<120x128xf32, #tpu.memory_space<vmem_shared>>
      %dma_wait3A_107 = arith.constant 0 : i32
      %dma_wait3A_108 = arith.constant 0 : i32
      %dma_wait3A_109 = tpu.memref_slice %arg11[%dma_wait3A_107, %dma_wait3A_108] : memref<128x128xf32, #tpu.memory_space<vmem>> -> memref<120x128xf32, #tpu.memory_space<vmem>>
      %dma_wait3A_110 = arith.constant 0 : i32
      %dma_wait3A_111 = tpu.memref_slice %arg14[%add3A_92, %dma_wait3A_110] : memref<10112x128xf32, #tpu.memory_space<vmem_shared>> -> memref<120x128xf32, #tpu.memory_space<vmem_shared>>
      tpu.wait_dma2 semaphore(%run_scoped3A : memref<!tpu.dma_semaphore, #tpu.memory_space<semaphore_mem>>) src(%dma_wait3A_111 : memref<120x128xf32, #tpu.memory_space<vmem_shared>>) dst(%dma_wait3A_109 : memref<120x128xf32, #tpu.memory_space<vmem>>)
      tpu.yield
    }) : () -> ()
    "tpu.region"() ({
      %run_scoped3A = tpu.sem_alloc : memref<!tpu.dma_semaphore, #tpu.memory_space<semaphore_mem>>
      %dma_start3A_93 = arith.constant 0 : i32
      %dma_start3A_94 = arith.constant 0 : i32
      %dma_start3A_95 = tpu.memref_slice %arg11[%dma_start3A_93, %dma_start3A_94] : memref<128x128xf32, #tpu.memory_space<vmem>> -> memref<120x128xf32, #tpu.memory_space<vmem>>
      %dma_start3A_96 = arith.constant 0 : i32
      %dma_start3A_97 = tpu.memref_slice %arg6[%arg0, %add3A_92, %dma_start3A_96] : memref<2x10112x128xf32, #tpu.memory_space<hbm>> -> memref<1x120x128xf32, #tpu.memory_space<hbm>>
      %dma_start3A_98 = tpu.memref_squeeze %dma_start3A_97 : memref<1x120x128xf32, #tpu.memory_space<hbm>> -> memref<120x128xf32, #tpu.memory_space<hbm>>
      %dma_start3A_99 = arith.constant 0 : i32
      %dma_start3A_100 = tpu.memref_slice %arg6[%arg0, %add3A_92, %dma_start3A_99] : memref<2x10112x128xf32, #tpu.memory_space<hbm>> -> memref<1x120x128xf32, #tpu.memory_space<hbm>>
      %dma_start3A_101 = tpu.memref_squeeze %dma_start3A_100 : memref<1x120x128xf32, #tpu.memory_space<hbm>> -> memref<120x128xf32, #tpu.memory_space<hbm>>
      %dma_start3A_102 = arith.constant 0 : i32
      %dma_start3A_103 = arith.constant 0 : i32
      %dma_start3A_104 = tpu.memref_slice %arg11[%dma_start3A_102, %dma_start3A_103] : memref<128x128xf32, #tpu.memory_space<vmem>> -> memref<120x128xf32, #tpu.memory_space<vmem>>
      tpu.enqueue_dma source(%dma_start3A_104 : memref<120x128xf32, #tpu.memory_space<vmem>>) target(%dma_start3A_101 : memref<120x128xf32, #tpu.memory_space<hbm>>) target_semaphore(%run_scoped3A : memref<!tpu.dma_semaphore, #tpu.memory_space<semaphore_mem>>)
      %dma_wait3A = arith.constant 0 : i32
      %dma_wait3A_105 = arith.constant 0 : i32
      %dma_wait3A_106 = tpu.memref_slice %arg11[%dma_wait3A, %dma_wait3A_105] : memref<128x128xf32, #tpu.memory_space<vmem>> -> memref<120x128xf32, #tpu.memory_space<vmem>>
      %dma_wait3A_107 = arith.constant 0 : i32
      %dma_wait3A_108 = tpu.memref_slice %arg6[%arg0, %add3A_92, %dma_wait3A_107] : memref<2x10112x128xf32, #tpu.memory_space<hbm>> -> memref<1x120x128xf32, #tpu.memory_space<hbm>>
      %dma_wait3A_109 = tpu.memref_squeeze %dma_wait3A_108 : memref<1x120x128xf32, #tpu.memory_space<hbm>> -> memref<120x128xf32, #tpu.memory_space<hbm>>
      %dma_wait3A_110 = arith.constant 0 : i32
      %dma_wait3A_111 = tpu.memref_slice %arg6[%arg0, %add3A_92, %dma_wait3A_110] : memref<2x10112x128xf32, #tpu.memory_space<hbm>> -> memref<1x120x128xf32, #tpu.memory_space<hbm>>
      %dma_wait3A_112 = tpu.memref_squeeze %dma_wait3A_111 : memref<1x120x128xf32, #tpu.memory_space<hbm>> -> memref<120x128xf32, #tpu.memory_space<hbm>>
      %dma_wait3A_113 = arith.constant 0 : i32
      %dma_wait3A_114 = arith.constant 0 : i32
      %dma_wait3A_115 = tpu.memref_slice %arg11[%dma_wait3A_113, %dma_wait3A_114] : memref<128x128xf32, #tpu.memory_space<vmem>> -> memref<120x128xf32, #tpu.memory_space<vmem>>
      tpu.wait_dma2 semaphore(%run_scoped3A : memref<!tpu.dma_semaphore, #tpu.memory_space<semaphore_mem>>) src(%dma_wait3A_115 : memref<120x128xf32, #tpu.memory_space<vmem>>) dst(%dma_wait3A_112 : memref<120x128xf32, #tpu.memory_space<hbm>>)
      tpu.yield
    }) : () -> ()
    "tpu.region"() ({
      %run_scoped3A = tpu.sem_alloc : memref<!tpu.dma_semaphore, #tpu.memory_space<semaphore_mem>>
      %dma_start3A_93 = arith.constant 0 : i32
      %dma_start3A_94 = tpu.memref_slice %arg7[%arg0, %arg1, %dma_start3A_93] : memref<2x16x10240xf32, #tpu.memory_space<hbm>> -> memref<1x1x10240xf32, #tpu.memory_space<hbm>>
      %dma_start3A_95 = tpu.memref_squeeze %dma_start3A_94 : memref<1x1x10240xf32, #tpu.memory_space<hbm>> -> memref<10240xf32, #tpu.memory_space<hbm>>
      %dma_start3A_96 = arith.constant 0 : i32
      %dma_start3A_97 = tpu.memref_slice %arg7[%arg0, %arg1, %dma_start3A_96] : memref<2x16x10240xf32, #tpu.memory_space<hbm>> -> memref<1x1x10240xf32, #tpu.memory_space<hbm>>
      %dma_start3A_98 = tpu.memref_squeeze %dma_start3A_97 : memref<1x1x10240xf32, #tpu.memory_space<hbm>> -> memref<10240xf32, #tpu.memory_space<hbm>>
      tpu.enqueue_dma source(%arg13 : memref<10240xf32, #tpu.memory_space<vmem>>) target(%dma_start3A_98 : memref<10240xf32, #tpu.memory_space<hbm>>) target_semaphore(%run_scoped3A : memref<!tpu.dma_semaphore, #tpu.memory_space<semaphore_mem>>)
      %dma_wait3A = arith.constant 0 : i32
      %dma_wait3A_99 = tpu.memref_slice %arg7[%arg0, %arg1, %dma_wait3A] : memref<2x16x10240xf32, #tpu.memory_space<hbm>> -> memref<1x1x10240xf32, #tpu.memory_space<hbm>>
      %dma_wait3A_100 = tpu.memref_squeeze %dma_wait3A_99 : memref<1x1x10240xf32, #tpu.memory_space<hbm>> -> memref<10240xf32, #tpu.memory_space<hbm>>
      %dma_wait3A_101 = arith.constant 0 : i32
      %dma_wait3A_102 = tpu.memref_slice %arg7[%arg0, %arg1, %dma_wait3A_101] : memref<2x16x10240xf32, #tpu.memory_space<hbm>> -> memref<1x1x10240xf32, #tpu.memory_space<hbm>>
      %dma_wait3A_103 = tpu.memref_squeeze %dma_wait3A_102 : memref<1x1x10240xf32, #tpu.memory_space<hbm>> -> memref<10240xf32, #tpu.memory_space<hbm>>
      tpu.wait_dma2 semaphore(%run_scoped3A : memref<!tpu.dma_semaphore, #tpu.memory_space<semaphore_mem>>) src(%arg13 : memref<10240xf32, #tpu.memory_space<vmem>>) dst(%dma_wait3A_103 : memref<10240xf32, #tpu.memory_space<hbm>>)
      tpu.yield
    }) : () -> ()
    return
  }
}

module attributes {stable_mosaic.version = 14 : i64} {
  func.func @_tc_body(%arg0: i32, %arg1: memref<2x1000x128xf32, #tpu.memory_space<vmem>>, %arg2: memref<2x1000x16xf32, #tpu.memory_space<vmem>>, %arg3: memref<1000x128xf32, #tpu.memory_space<vmem>>, %arg4: memref<128x128xf32, #tpu.memory_space<vmem>>, %arg5: memref<128x128xf32, #tpu.memory_space<vmem>>, %arg6: memref<1x128xf32, #tpu.memory_space<vmem>>, %arg7: memref<1000x128xf32, #tpu.memory_space<vmem>>) attributes {dimension_semantics = [#tpu.dimension_semantics<arbitrary>], iteration_bounds = array<i64: 10>, scalar_prefetch = 0 : i64, scratch_operands = 0 : i64, tpu.core_type = #tpu.core_type<tc>, window_params = [{transform_indices = @transform_0, window_bounds = array<i64: 2, 1000, 128>}, {transform_indices = @transform_1, window_bounds = array<i64: 2, 1000, 16>}, {transform_indices = @transform_2, window_bounds = array<i64: 1000, 128>}, {pipeline_mode = #tpu.pipeline_mode<synchronous>, transform_indices = @transform_3, window_bounds = array<i64: 128, 128>}, {pipeline_mode = #tpu.pipeline_mode<synchronous>, transform_indices = @transform_4, window_bounds = array<i64: 128, 128>}, {pipeline_mode = #tpu.pipeline_mode<synchronous>, transform_indices = @transform_5, window_bounds = array<i64: 1, 128>}, {transform_indices = @transform_6, window_bounds = array<i64: 1000, 128>}]} {
    %get3A = arith.constant 0 : index
    %get3A_0 = arith.constant 0 : index
    %get3A_1 = arith.constant 0 : index
    %get3A_2 = vector.load %arg2[%get3A, %get3A_0, %get3A_1] : memref<2x1000x16xf32, #tpu.memory_space<vmem>>, vector<1x1000x16xf32>
    %get3A_3 = vector.shape_cast %get3A_2 : vector<1x1000x16xf32> to vector<1000x16xf32>
    %reduce_sum3A = arith.constant dense<0.000000e+00> : vector<1000xf32>
    %reduce_sum3A_4 = vector.multi_reduction <add>, %get3A_3, %reduce_sum3A [1] : vector<1000x16xf32> to vector<1000xf32>
    %broadcast_in_dim3A = vector.shape_cast %reduce_sum3A_4 : vector<1000xf32> to vector<1000x1xf32>
    %max3A = arith.constant 1.000000e+00 : f32
    %max3A_5 = vector.broadcast %max3A : f32 to vector<1000x1xf32>
    %max3A_6 = arith.maximumf %broadcast_in_dim3A, %max3A_5 : vector<1000x1xf32>
    %get3A_7 = arith.constant 1 : index
    %get3A_8 = arith.constant 0 : index
    %get3A_9 = arith.constant 0 : index
    %get3A_10 = vector.load %arg2[%get3A_7, %get3A_8, %get3A_9] : memref<2x1000x16xf32, #tpu.memory_space<vmem>>, vector<1x1000x16xf32>
    %get3A_11 = vector.shape_cast %get3A_10 : vector<1x1000x16xf32> to vector<1000x16xf32>
    %reduce_sum3A_12 = arith.constant dense<0.000000e+00> : vector<1000xf32>
    %reduce_sum3A_13 = vector.multi_reduction <add>, %get3A_11, %reduce_sum3A_12 [1] : vector<1000x16xf32> to vector<1000xf32>
    %broadcast_in_dim3A_14 = vector.shape_cast %reduce_sum3A_13 : vector<1000xf32> to vector<1000x1xf32>
    %max3A_15 = arith.constant 1.000000e+00 : f32
    %max3A_16 = vector.broadcast %max3A_15 : f32 to vector<1000x1xf32>
    %max3A_17 = arith.maximumf %broadcast_in_dim3A_14, %max3A_16 : vector<1000x1xf32>
    %get3A_18 = arith.constant 0 : index
    %get3A_19 = arith.constant 0 : index
    %get3A_20 = arith.constant 0 : index
    %get3A_21 = vector.load %arg1[%get3A_18, %get3A_19, %get3A_20] : memref<2x1000x128xf32, #tpu.memory_space<vmem>>, vector<1x1000x128xf32>
    %get3A_22 = vector.shape_cast %get3A_21 : vector<1x1000x128xf32> to vector<1000x128xf32>
    %div3A = vector.broadcast %max3A_6 : vector<1000x1xf32> to vector<1000x128xf32>
    %div3A_23 = arith.divf %get3A_22, %div3A : vector<1000x128xf32>
    %get3A_24 = arith.constant 1 : index
    %get3A_25 = arith.constant 0 : index
    %get3A_26 = arith.constant 0 : index
    %get3A_27 = vector.load %arg1[%get3A_24, %get3A_25, %get3A_26] : memref<2x1000x128xf32, #tpu.memory_space<vmem>>, vector<1x1000x128xf32>
    %get3A_28 = vector.shape_cast %get3A_27 : vector<1x1000x128xf32> to vector<1000x128xf32>
    %div3A_29 = vector.broadcast %max3A_17 : vector<1000x1xf32> to vector<1000x128xf32>
    %div3A_30 = arith.divf %get3A_28, %div3A_29 : vector<1000x128xf32>
    %add3A = arith.addf %div3A_23, %div3A_30 : vector<1000x128xf32>
    %get3A_31 = arith.constant 0 : index
    %get3A_32 = arith.constant 0 : index
    %get3A_33 = vector.load %arg4[%get3A_31, %get3A_32] : memref<128x128xf32, #tpu.memory_space<vmem>>, vector<128x128xf32>
    %dot_general3A = arith.constant dense<0.000000e+00> : vector<1000x128xf32>
    %dot_general3A_34 = tpu.matmul %add3A, %get3A_33, %dot_general3A {dimension_numbers = #tpu.dot_dimension_numbers<[1], [0], [0], [1], [0, 0, 1, 1], [], []>, transpose_lhs_hint = false} : vector<1000x128xf32>, vector<128x128xf32>, vector<1000x128xf32> -> vector<1000x128xf32>
    %get3A_35 = arith.constant 0 : index
    %get3A_36 = arith.constant 0 : index
    %get3A_37 = vector.load %arg3[%get3A_35, %get3A_36] : memref<1000x128xf32, #tpu.memory_space<vmem>>, vector<1000x128xf32>
    %get3A_38 = arith.constant 0 : index
    %get3A_39 = arith.constant 0 : index
    %get3A_40 = vector.load %arg5[%get3A_38, %get3A_39] : memref<128x128xf32, #tpu.memory_space<vmem>>, vector<128x128xf32>
    %dot_general3A_41 = arith.constant dense<0.000000e+00> : vector<1000x128xf32>
    %dot_general3A_42 = tpu.matmul %get3A_37, %get3A_40, %dot_general3A_41 {dimension_numbers = #tpu.dot_dimension_numbers<[1], [0], [0], [1], [0, 0, 1, 1], [], []>, transpose_lhs_hint = false} : vector<1000x128xf32>, vector<128x128xf32>, vector<1000x128xf32> -> vector<1000x128xf32>
    %add3A_43 = arith.addf %dot_general3A_34, %dot_general3A_42 : vector<1000x128xf32>
    %get3A_44 = arith.constant 0 : index
    %get3A_45 = arith.constant 0 : index
    %get3A_46 = vector.load %arg6[%get3A_44, %get3A_45] : memref<1x128xf32, #tpu.memory_space<vmem>>, vector<1x128xf32>
    %add3A_47 = vector.broadcast %get3A_46 : vector<1x128xf32> to vector<1000x128xf32>
    %add3A_48 = arith.addf %add3A_43, %add3A_47 : vector<1000x128xf32>
    %swap3A = arith.constant 0 : index
    %swap3A_49 = arith.constant 0 : index
    %swap3A_50 = vector.load %arg7[%swap3A, %swap3A_49] : memref<1000x128xf32, #tpu.memory_space<vmem>>, vector<1000x128xf32>
    tpu.vector_store %arg7[%swap3A, %swap3A_49], %add3A_48 {strides = array<i32>} : memref<1000x128xf32, #tpu.memory_space<vmem>>, vector<1000x128xf32>,
    return
  }
  func.func @transform_0(%arg0: i32) -> (i32, i32, i32) {
    %c0_i32 = arith.constant 0 : i32
    %c0_i32_0 = arith.constant 0 : i32
    %c0_i32_1 = arith.constant 0 : i32
    return %c0_i32, %arg0, %c0_i32_0 : i32, i32, i32
  }
  func.func @transform_1(%arg0: i32) -> (i32, i32, i32) {
    %c0_i32 = arith.constant 0 : i32
    %c0_i32_0 = arith.constant 0 : i32
    %c0_i32_1 = arith.constant 0 : i32
    return %c0_i32, %arg0, %c0_i32_0 : i32, i32, i32
  }
  func.func @transform_2(%arg0: i32) -> (i32, i32) {
    %c0_i32 = arith.constant 0 : i32
    %c0_i32_0 = arith.constant 0 : i32
    return %arg0, %c0_i32 : i32, i32
  }
  func.func @transform_3(%arg0: i32) -> (i32, i32) {
    %c0_i32 = arith.constant 0 : i32
    %c0_i32_0 = arith.constant 0 : i32
    %c0_i32_1 = arith.constant 0 : i32
    return %c0_i32, %c0_i32_0 : i32, i32
  }
  func.func @transform_4(%arg0: i32) -> (i32, i32) {
    %c0_i32 = arith.constant 0 : i32
    %c0_i32_0 = arith.constant 0 : i32
    %c0_i32_1 = arith.constant 0 : i32
    return %c0_i32, %c0_i32_0 : i32, i32
  }
  func.func @transform_5(%arg0: i32) -> (i32, i32) {
    %c0_i32 = arith.constant 0 : i32
    %c0_i32_0 = arith.constant 0 : i32
    %c0_i32_1 = arith.constant 0 : i32
    return %c0_i32, %c0_i32_0 : i32, i32
  }
  func.func @transform_6(%arg0: i32) -> (i32, i32) {
    %c0_i32 = arith.constant 0 : i32
    %c0_i32_0 = arith.constant 0 : i32
    return %arg0, %c0_i32 : i32, i32
  }
}

</mosaic_0001>

<sc_bundles>
// kernel: kernel.4.cloned.1.call-start
scs
__scs_entry_jumppad:
0x0: {  	(pc) =	sbr.rel $0x88, $3  }
0x1: {  	(tag) =	ssettag $0x0;
	lr =	simm.s32 $0x1  }
0x2: {  	[smem:$0x3F99] =	sst lr;
	_ =	strace $0xD0000000  }
0x3: {  	_ = 	snop  }
0x4: {  	_ = 	snop  }
0x5: {  	_ = 	snop  }
0x6: {  	_ = 	snop  }
0x7: {  	_ = 	snop  }
__scs_overlays_trampoline_lowered:
0x8: {  	[smem:$0x3FA8] =	sst s0  }
0x9: {  	[smem:$0x3FA9] =	sst s1  }
0xa: {  	[smem:$0x3FAA] =	sst s2  }
0xb: {  	[smem:$0x3FAB] =	sst s3  }
0xc: {  	[smem:$0x3FAC] =	sst s4  }
0xd: {  	[smem:$0x3FAD] =	sst s5  }
0xe: {  	[smem:$0x3FAE] =	sst s6  }
0xf: {  	[smem:$0x3FAF] =	sst s7  }
0x10: {  	[smem:$0x3FB0] =	sst s8  }
0x11: {  	[smem:$0x3FB1] =	sst s9;
	s0 =	simm.s32 @!p0 $0x0  }
0x12: {  	s1 =	sld [smem:$0x3F97];
	s0 =	simm.s32 @p0 $0x1  }
0x13: {  	[smem:$0x3FB2] =	sst s0;
	s0 =	simm.s32 @!p1 $0x0  }
0x14: {  	s2 =	sld [smem:$0x3F96];
	s0 =	simm.s32 @p1 $0x1  }
0x15: {  	[smem:$0x3FB3] =	sst s0;
	s0 =	simm.s32 @!p2 $0x0  }
0x16: {  	s3 =	sld [smem:$0x3FDB];
	s0 =	simm.s32 @p2 $0x1  }
0x17: {  	s4 =	simm.s32 $0x1BF5;
	[smem:$0x3FB5] =	sst s0  }
0x18: {  	s0 =	sld [smem:$0x3F98];
	_ =	swait.ge [sflag:s4], $0x0  }
0x19: {  	s7 =	sld [smem:$0x3F99]  }
0x1a: {  	s8 =	sadd.s32 $0xFFFFE003, lr  }
0x1b: {  	s9 =	sadd.s32 $0xFFFFFEF7, lr;
	s5 =	simm.s32 $0xFFFFFFFF;
	p2 =	slt.u32 s8, $0xFFFFF086  }
0x1c: {  	p1 =	slt.u32 s9, $0xF7A;
	s5 =	simm.s32 @!p2 $0x0  }
0x1d: {  	s5 =	simm.s32 @p1 $0x1;
	p0 =	seq.s32 s7, s2  }
0x1e: {  	s7 =	smul.u32 @!p0 $0xF7A, s2;
	p2 =	seq.s32 @!p0 s5, $0x0  }
0x1f: {  	s9 =	smul.u32 $0xF7A, s1;
	s8 =	simm.s32 @!p0 $0x1BF5;
	p2 =	por !p2, p0  }
0x20: {  	[sflag:s8] =	ssyncset.s32 @!p0 $0xFFFFF086;
	s6 =	sadd.s32 @!p0 s3, s7;
	s7 =	simm.s32 @!p0 $0x108  }
0x21: {  	s3 =	sadd.s32 s3, s9;
	s6 =	sadd.s32 @!p0 $0x88, s6;
	s7 =	simm.s32 @p2 $0x1082  }
0x22: {  	[simem:s7], [sflag:s8] =	dma.local @!p0 [hbm:s6], $0xF7A  }
0x23: {  	s9 =	sor.u32 $0xD0000000, s2;
	s6 =	simm.s32 $0x108;
	_ =	swait.ge @!p0 [sflag:s8], $0x0  }
0x24: {  	s3 =	sadd.s32 $0x88, s3;
	s6 =	simm.s32 @!p1 $0x1082;
	[sflag:s4] =	ssyncset.s32 $0xFFFFF086  }
0x25: {  	[simem:s6], [sflag:s4] =	dma.local [hbm:s3], $0xF7A  }
0x26: {  	[smem:$0x3F99] =	sst s1;
	(tag) =	ssettag s2;
	_ =	strace s9  }
0x27: {  	s1 =	sld [smem:$0x3FA9]  }
0x28: {  	s2 =	sld [smem:$0x3FAA]  }
0x29: {  	s4 =	sld [smem:$0x3FAC]  }
0x2a: {  	p0 =	seq.s32 s5, $0x0;
	s5 =	sld [smem:$0x3FAD]  }
0x2b: {  	s6 =	sld [smem:$0x3FAE]  }
0x2c: {  	s7 =	sld [smem:$0x3FAF]  }
0x2d: {  	s3 =	simm.s32 $0x108;
	s8 =	sld [smem:$0x3FB0]  }
0x2e: {  	s3 =	simm.s32 @!p0 $0x1082;
	s9 =	sld [smem:$0x3FB1]  }
0x2f: {  	lr =	sadd.s32 s0, s3;
	s0 =	sld [smem:$0x3FA8]  }
0x30: {  	s3 =	sld [smem:$0x3FAB]  }
0x31: {  	[smem:$0x3FB4] =	sst s10  }
0x32: {  	s10 =	sld [smem:$0x3FB2];
	_ =	sdelay $0x3  }
0x33: {  	p0 =	seq.s32 s10, $0x1;
	s10 =	sld [smem:$0x3FB4];
	_ =	sdelay $0x3  }
0x34: {  	[smem:$0x3FB4] =	sst s10  }
0x35: {  	s10 =	sld [smem:$0x3FB3];
	_ =	sdelay $0x3  }
0x36: {  	p1 =	seq.s32 s10, $0x1;
	s10 =	sld [smem:$0x3FB4];
	_ =	sdelay $0x3  }
0x37: {  	[smem:$0x3FB4] =	sst s10  }
0x38: {  	s10 =	sld [smem:$0x3FB5]  }
0x39: {  	_ = 	snop;
	(pc) =	sbr.ind lr, $3  }
0x3a: {  	_ = 	snop  }
0x3b: {  	_ = 	snop  }
0x3c: {  	p2 =	seq.s32 s10, $0x1;
	s10 =	sld [smem:$0x3FB4]  }
0x3d: {  	_ =	shalt  }
0x3e: {  	_ =	shalt  }
0x3f: {  	_ =	shalt  }
0x40: {  	_ =	shalt  }
0x41: {  	_ =	shalt  }
0x42: {  	_ =	shalt  }
0x43: {  	_ =	shalt  }
0x44: {  	_ =	shalt  }
0x45: {  	_ =	shalt  }
0x46: {  	_ =	shalt  }
0x47: {  	_ =	shalt  }
0x48: {  	_ =	shalt  }
0x49: {  	_ =	shalt  }
0x4a: {  	_ =	shalt  }
0x4b: {  	_ =	shalt  }
0x4c: {  	_ =	shalt  }
0x4d: {  	_ =	shalt  }
0x4e: {  	_ =	shalt  }
0x4f: {  	_ =	shalt  }
0x50: {  	_ =	shalt  }
0x51: {  	_ =	shalt  }
0x52: {  	_ =	shalt  }
0x53: {  	_ =	shalt  }
0x54: {  	_ =	shalt  }
0x55: {  	_ =	shalt  }
0x56: {  	_ =	shalt  }
0x57: {  	_ =	shalt  }
0x58: {  	_ =	shalt  }
0x59: {  	_ =	shalt  }
0x5a: {  	_ =	shalt  }
0x5b: {  	_ =	shalt  }
0x5c: {  	_ =	shalt  }
0x5d: {  	_ =	shalt  }
0x5e: {  	_ =	shalt  }
0x5f: {  	_ =	shalt  }
0x60: {  	_ =	shalt  }
0x61: {  	_ =	shalt  }
0x62: {  	_ =	shalt  }
0x63: {  	_ =	shalt  }
0x64: {  	_ =	shalt  }
0x65: {  	_ =	shalt  }
0x66: {  	_ =	shalt  }
0x67: {  	_ =	shalt  }
0x68: {  	_ =	shalt  }
0x69: {  	_ =	shalt  }
0x6a: {  	_ =	shalt  }
0x6b: {  	_ =	shalt  }
0x6c: {  	_ =	shalt  }
0x6d: {  	_ =	shalt  }
0x6e: {  	_ =	shalt  }
0x6f: {  	_ =	shalt  }
0x70: {  	_ =	shalt  }
0x71: {  	_ =	shalt  }
0x72: {  	_ =	shalt  }
0x73: {  	_ =	shalt  }
0x74: {  	_ =	shalt  }
0x75: {  	_ =	shalt  }
0x76: {  	_ =	shalt  }
0x77: {  	_ =	shalt  }
0x78: {  	_ =	shalt  }
0x79: {  	_ =	shalt  }
0x7a: {  	_ =	shalt  }
0x7b: {  	_ =	shalt  }
0x7c: {  	_ =	shalt  }
0x7d: {  	_ =	shalt  }
0x7e: {  	_ =	shalt  }
0x7f: {  	_ =	shalt  }
0x80: {  	_ =	shalt  }
0x81: {  	_ =	shalt  }
0x82: {  	_ =	shalt  }
0x83: {  	_ =	shalt  }
0x84: {  	_ =	shalt  }
0x85: {  	_ =	shalt  }
0x86: {  	_ =	shalt  }
0x87: {  	_ =	shalt  }
.Lfunc_end0:
.L_simem_size_0:
called_computation_lowered:
.L_overlay_start_0:
0x88: {  	s2 =	sld [smem:$0x3FD9]  }
0x89: {  	s3 =	sld [smem:$0x3FFE];
	_ =	sdelay $0x1  }
0x8a: {  	s1 =	srdreg.scid  }
0x8b: {  	s0 =	sand.u32 $0x1, s1  }
0x8c: {  	s17 =	sshll.u32 s0, $0xA;
	s2 =	sadd.s32 s3, s2  }
0x8d: {  	s2 =	sadd.s32 s2, s17  }
0x8e: {  	[smem:$0x3FC0] =	sst s2  }
0x8f: {  	_ = 	snop  }
0x90: {  	s2 =	sld [smem:$0x3FD0];
	(tm) =	ssettm $0x1  }
0x91: {  	s18 =	sld [smem:$0x3FFB];
	_ =	sdelay $0x3  }
0x92: {  	_ =	strace s18  }
0x93: {  	s3 =	sld [smem:$0x3FFC];
	_ =	sdelay $0x3  }
0x94: {  	_ =	strace s3  }
0x95: {  	s3 =	sld [smem:$0x3FFD];
	_ =	sdelay $0x3  }
0x96: {  	_ =	strace s3  }
0x97: {  	_ =	strace $0x8FFFFFFF  }
0x98: {  	s19 =	sld [smem:$0x3FDB];
	_ =	sdelay $0x1  }
0x99: {  	s4 =	simm.s32 $_scs_section_size  }
0x9a: {  	s5 =	simm.s32 $_size__tile_overlayer_lowered;
	s6 =	simm.s32 $_tile_overlayer_lowered  }
0x9b: {  	s22 =	simm.s32 $0x1BFF;
	s21 =	sshll.u32 s6, $0x1;
	s3 =	sadd.s32 s4, s19  }
0x9c: {  	s7 =	simm.s32 $0x0;
	s20 =	sshll.u32 s5, $0x1;
	s5 =	sadd.s32 s21, s3  }
0x9d: {  	[timem:s7], [sflag:s22] =	dma.local [hbm:s5], s20  }
0x9e: {  	_ =	swait.ge [sflag:s22], s20  }
0x9f: {  	s4 =	ssub.s32 $0x0, s20;
	[sflag:s22] =	ssyncset.done $0x0  }
0xa0: {  	[sflag:s22] =	ssyncadd.s32 s4;
	_ =	sdelay $0x1  }
0xa1: {  	s23 =	simm.s32 $0x1B8B  }
0xa2: {  	_ =	swait.ge [sflag:s23], $0x1  }
0xa3: {  	[sflag:s23] =	ssyncset.done $0x0  }
0xa4: {  	s25 =	simm.s32 $0x1B8E;
	s24 =	sld [smem:$0x3FFE];
	[sflag:s23] =	ssyncadd.s32 $0xFFFFFFFF  }
0xa5: {  	s26 =	simm.s32 $execute0_lowered;
	[smem:$0x3FD2] =	sst s25  }
0xa6: {  	s5 =	sshll.u32 s26, $0x1;
	_ =	strace $0x80000046;
	[dreg:$0x1] =	wrdreg $0xFFFFFFFF  }
0xa7: {  	s28 =	simm.s32 $_size_execute0_lowered;
	s3 =	sadd.s32 s3, s5;
	[dreg:$0x0] =	wrdreg $0x0  }
0xa8: {  	s5 =	sshll.u32 s28, $0x1;
	[dreg:$0x2] =	wrdreg s3  }
0xa9: {  	[dreg:$0x3] =	wrdreg s5  }
0xaa: {  	[dreg:$0x4] =	wrdreg $0xC0  }
0xab: {  	_ =	task [dreg:s7], $0x5FFFF  }
0xac: {  	[dreg:$0x1] =	wrdreg $0xFFFFFFFF  }
0xad: {  	[dreg:$0x0] =	wrdreg $0x60  }
0xae: {  	[dreg:$0x2] =	wrdreg s24  }
0xaf: {  	[dreg:$0x3] =	wrdreg s2  }
0xb0: {  	[dreg:$0x4] =	wrdreg $0xB8800  }
0xb1: {  	[dreg:$0x5] =	wrdreg $0x9  }
0xb2: {  	_ =	task.clear_ibuf [dreg:s7], $0x6FFFF;
	_ =	strace $0x90000046  }
0xb3: {  	s29 =	simm.s32 $0x9;
	_ =	strace $0x80000048  }
0xb4: {  	_ =	swait.ge [sflag:s29], $0x1  }
0xb5: {  	[sflag:s29] =	ssyncadd.s32 $0xFFFFFFFF  }
0xb6: {  	_ =	strace $0x90000048  }
0xb7: {  	_ =	sfence  }
0xb8: {  	s30 =	sld [smem:$0x0];
	_ =	sdelay $0x2  }
0xb9: {  	s31 =	sshll.u32 s1, $0xD;
	s1 =	sshrl.u32 s1, $0x2  }
0xba: {  	s3 =	sand.u32 $0x4000, s31;
	s1 =	sadd.s32 s1, s30  }
0xbb: {  	s0 =	sor.u32 s3, s0;
	s1 =	sshll.u32 s1, $0x11  }
0xbc: {  	s0 =	sor.u32 s1, s0  }
0xbd: {  	s0 =	sadd.s32 $0x8F2B, s0  }
0xbe: {  	[sflag:s0] =	ssyncadd.remote.s32 $0x1  }
0xbf: {  	_ =	sfence.sel $0xFFFF  }
0xc0: {  	[dreg:$0x0] =	wrdreg $0xFFFFFFFF;
	(pc) =	sbr.abs _section_cstart, $3  }
0xc1: {  	[dreg:$0x1] =	wrdreg $0xFFFFFFFF  }
0xc2: {  	_ =	task.clear_ibuf [dreg:s7], $0x2FFFF;
	_ =	strace $0x9FFFFFFF  }
0xc3: {  	(tm) =	ssettm $0x7FFFFFFF  }
tec
execute0_lowered:
.L_overlay_start_1:
0x0: {  	(tag) =	ssettag $0x1  }
0x1: {  	s0 =	rddreg [dreg:$0x0]  }
0x2: {  	s2 =	rddreg [dreg:$0x1]  }
0x3: {  	s3 =	rddreg [dreg:$0x2]  }
0x4: {  	s1 =	srdreg.scid;
	s11 =	stileid.u32;
	s4 =	simm.s32 $0x0  }
0x5: {  	s28 =	simm.s32 $0x800;
	s29 =	simm.s32 $0x5080;
	s30 =	simm.s32 $0x9080  }
0x6: {  	s31 =	simm.s32 $0x1;
	s1 =	sand.u32 $0x1, s1;
	s19 =	smul.u32 $0x4F000, s11  }
0x7: {  	s5 =	sshrl.u32 s11, $0x3;
	[smem:$0x7FF] =	sst s4;
	s15 =	smul.u32 $0x13C00, s11  }
0x8: {  	s9 =	sshll.u32 s11, $0x7;
	s6 =	sadd.s32 $0x1C00, s0;
	s7 =	smul.u32 $0x28000, s1  }
0x9: {  	s18 =	sadd.s32 $0x63E00, s0;
	s14 =	sadd.s32 $0x6E600, s0;
	s8 =	smul.u32 $0x14000, s5  }
0xa: {  	_ =	strace $0x80000047;
	s5 =	sadd.s32 $0x15C00, s0;
	s13 =	smul.u32 $0xA00, s1  }
0xb: {  	[dreg:$0x4] =	wrdreg s18;
	s20 =	ssub.s32 $0x2, s1;
	s18 =	smul.u32 $0xA0, s11  }
0xc: {  	s17 =	sand.u32 $0x380, s9;
	s1 =	smul.u32 $0x13C000, s1;
	s10 =	sshrl.u32 s20, $0x1  }
0xd: {  	s16 =	sadd.s32 $0x4000, s15;
	s7 =	sadd.s32 s7, s8;
	s8 =	sshrl.u32 s19, $0x2  }
0xe: {  	s21 =	ssub.s32 s20, s10;
	s9 =	sadd.s32 s16, s3;
	s19 =	sadd.s32 $0xC000, s15  }
0xf: {  	s20 =	sadd.s32 $0x10000, s15;
	s13 =	sadd.s32 s18, s13;
	s16 =	sadd.s32 s1, s16  }
0x10: {  	s7 =	sor.u32 s17, s7;
	s8 =	sadd.s32 s8, s3;
	s17 =	sadd.s32 $0x8000, s15  }
0x11: {  	s11 =	sadd.s32 s19, s3;
	s12 =	sadd.s32 s20, s3;
	s13 =	sshll.u32 s13, $0x4  }
0x12: {  	s15 =	sadd.s32 s15, s1;
	s16 =	sshrl.u32 s16, $0x3;
	s25 =	sadd.s32 s1, s19  }
0x13: {  	s7 =	sshrl.u32 s7, $0x3;
	s10 =	sadd.s32 s17, s3;
	s22 =	sadd.s32 s2, s13  }
0x14: {  	s23 =	sshrl.u32 s15, $0x3;
	s15 =	sadd.s32 $0x100, s2;
	s16 =	sadd.s32 s14, s16  }
0x15: {  	s24 =	sadd.s32 s1, s17;
	s1 =	sadd.s32 s1, s20;
	s17 =	sshrl.u32 s25, $0x3  }
0x16: {  	s0 =	sadd.s32 s7, s0;
	[dreg:$0x5] =	wrdreg s22;
	s18 =	sadd.s32 s14, s23  }
0x17: {  	[dreg:$0x7] =	wrdreg s16;
	s16 =	sshrl.u32 s24, $0x3;
	s1 =	sshrl.u32 s1, $0x3  }
0x18: {  	v0 =	vimm.f32 $0.0e+00;
	v1 =	vimm.f32 $1.000000000e+00;
	s26 =	sadd.s32 s14, s17;
	s22 =	smax.u32 s21, $0x1;
	s23 =	simm.s32 $0x1080  }
.Ltmp0:
0x19: {  	vm0 =	vcmask $0x704;
	vm1 =	vcmask $0xB08;
	vm2 =	vcmask $0xF0C;
	s24 =	simm.s32 $0x5;
	[dreg:$0x6] =	wrdreg s18;
	(pc) =	sbr.rel .LBB2_1-.Ltmp0, $4  }
0x1a: {  	vm3 =	vcmask $0x1310;
	vm4 =	vcmask $0x1714;
	vm5 =	vcmask $0x1B18;
	s7 =	simm.s32 $0x4;
	s16 =	sadd.s32 s14, s16;
	[dreg:$0x9] =	wrdreg s26  }
0x1b: {  	vm6 =	vcmask $0x1F1C;
	vm7 =	vcmask $0x2320;
	vm8 =	vcmask $0x2724;
	s1 =	sadd.s32 s14, s1;
	s0 =	sadd.s32 $0x64600, s0;
	[dreg:$0x8] =	wrdreg s16  }
0x1c: {  	vm9 =	vcmask $0x2B28;
	vm10 =	vcmask $0x2F2C;
	vm11 =	vcmask $0x3330;
	s26 =	simm.s32 $0x80;
	s14 =	simm.s32 $0x0;
	[dreg:$0xa] =	wrdreg s1  }
0x1d: {  	vm12 =	vcmask $0x3734;
	vm13 =	vcmask $0x3B38;
	vm14 =	vcmask $0x3F3C;
	[dreg:$0xb] =	wrdreg s0;
	s0 =	simm.s32 $0x3;
	s1 =	simm.s32 $0x2  }
.LBB2_11:
0x1e: {  	[bflag:$0x0] =	sbarrier.arrive $0xFFFF  }
0x1f: {  	[tilespmem:s23], [sflag:$0x5] =	stream.linear.gather [spmem:s8], $0x4000, $0x38;
	[tilespmem:$0x1F480] =	vst v63  }
0x20: {  	_ =	swait.ge [sflag:s24], $0x4000  }
0x21: {  	[sflag:s24] =	ssyncset.done $0x0  }
0x22: {  	s16 =	rddreg [dreg:$0x6];
	[sflag:s24] =	ssyncadd.s32 $0xFFFFC000  }
0x23: {  	[hbm4b:s16+s4] =	stream.linear.scatter [tilespmem:s23], [sflag:$0x5], $0x4000, $0x38;
	[tilespmem:$0x1F480] =	vst v63  }
0x24: {  	_ =	swait.ge [sflag:s24], $0x4000  }
0x25: {  	[sflag:s24] =	ssyncset.done $0x0  }
0x26: {  	[sflag:s24] =	ssyncadd.s32 $0xFFFFC000  }
0x27: {  	[tilespmem:s23], [sflag:$0x5] =	stream.linear.gather [spmem:s9], $0x4000, $0x38;
	[tilespmem:$0x1F480] =	vst v63  }
0x28: {  	_ =	swait.ge [sflag:s24], $0x4000  }
0x29: {  	[sflag:s24] =	ssyncset.done $0x0  }
0x2a: {  	s18 =	rddreg [dreg:$0x7];
	[sflag:s24] =	ssyncadd.s32 $0xFFFFC000  }
0x2b: {  	[hbm4b:s18+s4] =	stream.linear.scatter [tilespmem:s23], [sflag:$0x5], $0x4000, $0x38;
	[tilespmem:$0x1F480] =	vst v63  }
0x2c: {  	_ =	swait.ge [sflag:s24], $0x4000  }
0x2d: {  	[sflag:s24] =	ssyncset.done $0x0  }
0x2e: {  	[sflag:s24] =	ssyncadd.s32 $0xFFFFC000  }
0x2f: {  	[tilespmem:s23], [sflag:$0x5] =	stream.linear.gather [spmem:s10], $0x4000, $0x38;
	[tilespmem:$0x1F480] =	vst v63  }
0x30: {  	_ =	swait.ge [sflag:s24], $0x4000  }
0x31: {  	[sflag:s24] =	ssyncset.done $0x0  }
0x32: {  	s19 =	rddreg [dreg:$0x8];
	[sflag:s24] =	ssyncadd.s32 $0xFFFFC000  }
0x33: {  	[hbm4b:s19+s4] =	stream.linear.scatter [tilespmem:s23], [sflag:$0x5], $0x4000, $0x38;
	[tilespmem:$0x1F480] =	vst v63  }
0x34: {  	_ =	swait.ge [sflag:s24], $0x4000  }
0x35: {  	[sflag:s24] =	ssyncset.done $0x0  }
0x36: {  	[sflag:s24] =	ssyncadd.s32 $0xFFFFC000  }
0x37: {  	[tilespmem:s23], [sflag:$0x5] =	stream.linear.gather [spmem:s11], $0x4000, $0x38;
	[tilespmem:$0x1F480] =	vst v63  }
0x38: {  	_ =	swait.ge [sflag:s24], $0x4000  }
0x39: {  	[sflag:s24] =	ssyncset.done $0x0  }
0x3a: {  	s20 =	rddreg [dreg:$0x9];
	[sflag:s24] =	ssyncadd.s32 $0xFFFFC000  }
0x3b: {  	[hbm4b:s20+s4] =	stream.linear.scatter [tilespmem:s23], [sflag:$0x5], $0x4000, $0x38;
	[tilespmem:$0x1F480] =	vst v63  }
0x3c: {  	_ =	swait.ge [sflag:s24], $0x4000  }
0x3d: {  	[sflag:s24] =	ssyncset.done $0x0  }
0x3e: {  	[sflag:s24] =	ssyncadd.s32 $0xFFFFC000  }
0x3f: {  	[tilespmem:s23], [sflag:$0x5] =	stream.linear.gather [spmem:s12], $0x3C00, $0x38;
	[tilespmem:$0x1F480] =	vst v63  }
0x40: {  	_ =	swait.ge [sflag:s24], $0x3C00  }
0x41: {  	[sflag:s24] =	ssyncset.done $0x0  }
0x42: {  	s21 =	rddreg [dreg:$0xa];
	[sflag:s24] =	ssyncadd.s32 $0xFFFFC400  }
0x43: {  	[hbm4b:s21+s4] =	stream.linear.scatter [tilespmem:s23], [sflag:$0x5], $0x3C00, $0x38;
	[tilespmem:$0x1F480] =	vst v63  }
0x44: {  	s14 =	sadd.s32 $0x1, s14;
	_ =	swait.ge [sflag:s24], $0x3C00  }
0x45: {  	s17 =	simm.s32 $0x400;
	p0 =	sne.s32 s14, s22;
	[sflag:s24] =	ssyncset.done $0x0  }
.Ltmp1:
0x46: {  	s25 =	rddreg [dreg:$0xb];
	[sflag:s24] =	ssyncadd.s32 $0xFFFFC400;
	(pc) =	sbr.rel @!p0 .LBB2_12-.Ltmp1, $4  }
0x47: {  	[hbm4b:s25+s26] =	stream.strided.scatter [tilespmem:s30], [sflag:$0x5], $0x2800, s17, s26, $0x38;
	[tilespmem:$0x1F480] =	vst v63  }
0x48: {  	_ =	swait.ge [sflag:s24], $0x2800  }
0x49: {  	[sflag:s24] =	ssyncset.done $0x0  }
0x4a: {  	[sflag:s24] =	ssyncadd.s32 $0xFFFFD800  }
.LBB2_1:
0x4b: {  	s16 =	rddreg [dreg:$0x4]  }
0x4c: {  	[tilespmem:s23], [sflag:$0x5] =	stream.linear.gather [hbm4b:s16+s4], $0x4000, $0x38;
	[tilespmem:$0x1F480] =	vst v63  }
0x4d: {  	_ =	swait.ge [sflag:s24], $0x4000  }
0x4e: {  	[sflag:s24] =	ssyncset.done $0x0  }
0x4f: {  	[sflag:s24] =	ssyncadd.s32 $0xFFFFC000  }
0x50: {  	[spmem:s8] =	stream.linear.scatter [tilespmem:s23], [sflag:$0x5], $0x4000, $0x38;
	[tilespmem:$0x1F480] =	vst v63  }
0x51: {  	_ =	swait.ge [sflag:s24], $0x4000  }
0x52: {  	[sflag:s24] =	ssyncset.done $0x0  }
0x53: {  	[sflag:s24] =	ssyncadd.s32 $0xFFFFC000  }
0x54: {  	[spmem:s9] =	stream.linear.scatter [tilespmem:s23], [sflag:$0x5], $0x4000, $0x38;
	[tilespmem:$0x1F480] =	vst v63  }
0x55: {  	_ =	swait.ge [sflag:s24], $0x4000  }
0x56: {  	[sflag:s24] =	ssyncset.done $0x0  }
0x57: {  	[sflag:s24] =	ssyncadd.s32 $0xFFFFC000  }
0x58: {  	[spmem:s10] =	stream.linear.scatter [tilespmem:s23], [sflag:$0x5], $0x4000, $0x38;
	[tilespmem:$0x1F480] =	vst v63  }
0x59: {  	_ =	swait.ge [sflag:s24], $0x4000  }
0x5a: {  	[sflag:s24] =	ssyncset.done $0x0  }
0x5b: {  	[sflag:s24] =	ssyncadd.s32 $0xFFFFC000  }
0x5c: {  	[spmem:s11] =	stream.linear.scatter [tilespmem:s23], [sflag:$0x5], $0x4000, $0x38;
	[tilespmem:$0x1F480] =	vst v63  }
0x5d: {  	_ =	swait.ge [sflag:s24], $0x4000  }
0x5e: {  	[sflag:s24] =	ssyncset.done $0x0  }
0x5f: {  	[sflag:s24] =	ssyncadd.s32 $0xFFFFC000  }
0x60: {  	[spmem:s12] =	stream.linear.scatter [tilespmem:s23], [sflag:$0x5], $0x3C00, $0x38;
	[tilespmem:$0x1F480] =	vst v63  }
0x61: {  	_ =	swait.ge [sflag:s24], $0x3C00  }
0x62: {  	[sflag:s24] =	ssyncset.done $0x0  }
0x63: {  	s17 =	simm.s32 $0x0;
	s16 =	simm.s32 $0x40;
	[sflag:s24] =	ssyncadd.s32 $0xFFFFC400  }
.LBB2_2:
0x64: {  	p0 =	sne.s32 s16, $0x9FC0;
	[tilespmem:s17+$0x9080] =	vst v0;
	s17 =	smov.u32 s16;
	s16 =	sadd.s32 $0x40, s16  }
.Ltmp2:
0x65: {  	(pc) =	sbr.rel @p0 .LBB2_2-.Ltmp2, $2  }
0x66: {  	_ =	sdelay $0x2  }
0x67: {  	s17 =	sshra.s32 s17, $0x2  }
0x68: {  	[tilespmem:s17+$0x9080] =	vst v0  }
0x69: {  	[bflag:$0x0] =	sbarrier.arrive $0xFFFF  }
0x6a: {  	s16 =	simm.s32 $0x0;
	s18 =	simm.s32 $0x1000;
	s25 =	rddreg [dreg:$0x5]  }
0x6b: {  	[tilespmem:s18], [sflag:$0x5] =	stream.linear.gather [hbm4b:s25+s16], $0x80, $0x38;
	[tilespmem:$0x1F480] =	vst v63  }
.Ltmp3:
0x6c: {  	_ = 	snop;
	(pc) =	sbr.rel .LBB2_4-.Ltmp3, $4  }
0x6d: {  	_ =	swait.ge [sflag:s24], $0x80  }
0x6e: {  	[sflag:s24] =	ssyncset.done $0x0  }
0x6f: {  	s17 =	simm.s32 $0x0;
	[sflag:s24] =	ssyncadd.s32 $0xFFFFFF80  }
0x70: {  	[tilespmem:s23], [sflag:$0x1] =	stream.indirect.gather [hbm4b:s5+s26], $0x80, s18, s26, $0xb8;
	[tilespmem:$0x1F480] =	vst v63  }
.LBB2_10:
0x71: {  	s17 =	sadd.s32 $0x1, s17  }
0x72: {  	p0 =	sne.s32 s17, $0xA  }
.Ltmp4:
0x73: {  	_ = 	snop;
	(pc) =	sbr.rel @!p0 .LBB2_11-.Ltmp4, $4  }
0x74: {  	_ = 	snop  }
0x75: {  	_ =	swait.ge [sflag:s7], $0x4000  }
0x76: {  	[sflag:s7] =	ssyncset.done $0x0  }
0x77: {  	[sflag:s7] =	ssyncadd.s32 $0xFFFFC000  }
.LBB2_4:
0x78: {  	s18 =	sshll.u32 s17, $0x8  }
0x79: {  	s18 =	sadd.s32 s13, s18  }
0x7a: {  	s19 =	sadd.s32 s2, s18  }
0x7b: {  	[tilespmem:s16], [sflag:$0x5] =	stream.linear.gather [hbm4b:s19+s16], $0x800, $0x38;
	[tilespmem:$0x1F480] =	vst v63  }
0x7c: {  	_ =	swait.ge [sflag:s24], $0x800  }
0x7d: {  	[sflag:s24] =	ssyncset.done $0x0  }
.Ltmp5:
0x7e: {  	s25 =	sadd.s32 s6, s18;
	[sflag:s24] =	ssyncadd.s32 $0xFFFFF800;
	(pc) =	sbr.rel .LBB2_5-.Ltmp5, $4  }
0x7f: {  	[tilespmem:s28], [sflag:$0x5] =	stream.linear.gather [hbm4b:s25+s16], $0x800, $0x38;
	[tilespmem:$0x1F480] =	vst v63  }
0x80: {  	_ =	swait.ge [sflag:s24], $0x800  }
0x81: {  	p0 =	seq.s32 s17, $0x9;
	[sflag:s24] =	ssyncset.done $0x0  }
0x82: {  	s18 =	sadd.s32 s18, s15;
	s19 =	simm.s32 $0x0;
	[sflag:s24] =	ssyncadd.s32 $0xFFFFF800  }
.LBB2_6:
0x83: {  	s25 =	sadd.s32 $0x100, s20  }
.LBB2_8:
0x84: {  	[tilespmem:s23], [sflag:$0x1] =	stream.indirect.gather [hbm4b:s5+s26], $0x80, s25, s26, $0xb8;
	[tilespmem:$0x1F480] =	vst v63  }
.LBB2_9:
0x85: {  	s19 =	sadd.s32 $0x400, s19  }
0x86: {  	p1 =	sne.s32 s19, $0x2000  }
.Ltmp6:
0x87: {  	_ = 	snop;
	(pc) =	sbr.rel @!p1 .LBB2_10-.Ltmp6, $4  }
0x88: {  	_ =	swait.ge [sflag:s1], $0x4000  }
0x89: {  	[sflag:s1] =	ssyncset.done $0x0  }
0x8a: {  	s20 =	sadd.s32 $0x880, s20;
	[sflag:s1] =	ssyncadd.s32 $0xFFFFC000  }
0x8b: {  	[spmem:s3] =	stream.indirect.scatter.add.f32 [tilespmem:s29], [sflag:$0x4], $0x80, s20, s26, $0xb8;
	[tilespmem:$0x1F480] =	vst v63  }
.LBB2_5:
0x8c: {  	p1 =	seq.s32 s19, $0x0  }
0x8d: {  	s25 =	simm.s32 @!p1 $0x4  }
0x8e: {  	_ =	swait.ge @!p1 [sflag:s25], $0x4000  }
0x8f: {  	s20 =	sshra.s32 s19, $0x2;
	[sflag:s25] =	ssyncset.done @!p1 $0x0  }
0x90: {  	s21 =	sadd.s32 $0x80, s20;
	[sflag:s25] =	ssyncadd.s32 @!p1 $0xFFFFC000  }
0x91: {  	[tilespmem:s29], [sflag:$0x2] =	stream.indirect.gather [hbm4b:s5+s26], $0x80, s21, s26, $0xb8;
	[tilespmem:$0x1F480] =	vst v63  }
0x92: {  	v2 =	vld [tilespmem:s20+$0x800];
	_ =	sdelay $0x7  }
0x93: {  	[tilespmem:v2+s30+$0x0] =	vst.idx.add.f32.msk $0x1, v1  }
0x94: {  	[tilespmem:v2+s30+$0x0] =	vst.idx.add.f32.msk vm0, v1  }
0x95: {  	[tilespmem:v2+s30+$0x0] =	vst.idx.add.f32.msk vm1, v1  }
0x96: {  	[tilespmem:v2+s30+$0x0] =	vst.idx.add.f32.msk vm2, v1  }
0x97: {  	[tilespmem:v2+s30+$0x0] =	vst.idx.add.f32.msk vm3, v1  }
0x98: {  	[tilespmem:v2+s30+$0x0] =	vst.idx.add.f32.msk vm4, v1  }
0x99: {  	[tilespmem:v2+s30+$0x0] =	vst.idx.add.f32.msk vm5, v1  }
0x9a: {  	[tilespmem:v2+s30+$0x0] =	vst.idx.add.f32.msk vm6, v1  }
0x9b: {  	[tilespmem:v2+s30+$0x0] =	vst.idx.add.f32.msk vm7, v1  }
0x9c: {  	[tilespmem:v2+s30+$0x0] =	vst.idx.add.f32.msk vm8, v1  }
0x9d: {  	[tilespmem:v2+s30+$0x0] =	vst.idx.add.f32.msk vm9, v1  }
0x9e: {  	[tilespmem:v2+s30+$0x0] =	vst.idx.add.f32.msk vm10, v1  }
0x9f: {  	[tilespmem:v2+s30+$0x0] =	vst.idx.add.f32.msk vm11, v1  }
0xa0: {  	[tilespmem:v2+s30+$0x0] =	vst.idx.add.f32.msk vm12, v1  }
0xa1: {  	[tilespmem:v2+s30+$0x0] =	vst.idx.add.f32.msk vm13, v1  }
0xa2: {  	[tilespmem:v2+s30+$0x0] =	vst.idx.add.f32.msk vm14, v1  }
0xa3: {  	v2 =	vld [tilespmem:s20+$0x810];
	_ =	sdelay $0x7  }
0xa4: {  	[tilespmem:v2+s30+$0x0] =	vst.idx.add.f32.msk $0x1, v1  }
0xa5: {  	[tilespmem:v2+s30+$0x0] =	vst.idx.add.f32.msk vm0, v1  }
0xa6: {  	[tilespmem:v2+s30+$0x0] =	vst.idx.add.f32.msk vm1, v1  }
0xa7: {  	[tilespmem:v2+s30+$0x0] =	vst.idx.add.f32.msk vm2, v1  }
0xa8: {  	[tilespmem:v2+s30+$0x0] =	vst.idx.add.f32.msk vm3, v1  }
0xa9: {  	[tilespmem:v2+s30+$0x0] =	vst.idx.add.f32.msk vm4, v1  }
0xaa: {  	[tilespmem:v2+s30+$0x0] =	vst.idx.add.f32.msk vm5, v1  }
0xab: {  	[tilespmem:v2+s30+$0x0] =	vst.idx.add.f32.msk vm6, v1  }
0xac: {  	[tilespmem:v2+s30+$0x0] =	vst.idx.add.f32.msk vm7, v1  }
0xad: {  	[tilespmem:v2+s30+$0x0] =	vst.idx.add.f32.msk vm8, v1  }
0xae: {  	[tilespmem:v2+s30+$0x0] =	vst.idx.add.f32.msk vm9, v1  }
0xaf: {  	[tilespmem:v2+s30+$0x0] =	vst.idx.add.f32.msk vm10, v1  }
0xb0: {  	[tilespmem:v2+s30+$0x0] =	vst.idx.add.f32.msk vm11, v1  }
0xb1: {  	[tilespmem:v2+s30+$0x0] =	vst.idx.add.f32.msk vm12, v1  }
0xb2: {  	[tilespmem:v2+s30+$0x0] =	vst.idx.add.f32.msk vm13, v1  }
0xb3: {  	[tilespmem:v2+s30+$0x0] =	vst.idx.add.f32.msk vm14, v1  }
0xb4: {  	v2 =	vld [tilespmem:s20+$0x820];
	_ =	sdelay $0x7  }
0xb5: {  	[tilespmem:v2+s30+$0x0] =	vst.idx.add.f32.msk $0x1, v1  }
0xb6: {  	[tilespmem:v2+s30+$0x0] =	vst.idx.add.f32.msk vm0, v1  }
0xb7: {  	[tilespmem:v2+s30+$0x0] =	vst.idx.add.f32.msk vm1, v1  }
0xb8: {  	[tilespmem:v2+s30+$0x0] =	vst.idx.add.f32.msk vm2, v1  }
0xb9: {  	[tilespmem:v2+s30+$0x0] =	vst.idx.add.f32.msk vm3, v1  }
0xba: {  	[tilespmem:v2+s30+$0x0] =	vst.idx.add.f32.msk vm4, v1  }
0xbb: {  	[tilespmem:v2+s30+$0x0] =	vst.idx.add.f32.msk vm5, v1  }
0xbc: {  	[tilespmem:v2+s30+$0x0] =	vst.idx.add.f32.msk vm6, v1  }
0xbd: {  	[tilespmem:v2+s30+$0x0] =	vst.idx.add.f32.msk vm7, v1  }
0xbe: {  	[tilespmem:v2+s30+$0x0] =	vst.idx.add.f32.msk vm8, v1  }
0xbf: {  	[tilespmem:v2+s30+$0x0] =	vst.idx.add.f32.msk vm9, v1  }
0xc0: {  	[tilespmem:v2+s30+$0x0] =	vst.idx.add.f32.msk vm10, v1  }
0xc1: {  	[tilespmem:v2+s30+$0x0] =	vst.idx.add.f32.msk vm11, v1  }
0xc2: {  	[tilespmem:v2+s30+$0x0] =	vst.idx.add.f32.msk vm12, v1  }
0xc3: {  	[tilespmem:v2+s30+$0x0] =	vst.idx.add.f32.msk vm13, v1  }
0xc4: {  	[tilespmem:v2+s30+$0x0] =	vst.idx.add.f32.msk vm14, v1  }
0xc5: {  	v2 =	vld [tilespmem:s20+$0x830];
	_ =	sdelay $0x7  }
0xc6: {  	[tilespmem:v2+s30+$0x0] =	vst.idx.add.f32.msk $0x1, v1  }
0xc7: {  	[tilespmem:v2+s30+$0x0] =	vst.idx.add.f32.msk vm0, v1  }
0xc8: {  	[tilespmem:v2+s30+$0x0] =	vst.idx.add.f32.msk vm1, v1  }
0xc9: {  	[tilespmem:v2+s30+$0x0] =	vst.idx.add.f32.msk vm2, v1  }
0xca: {  	[tilespmem:v2+s30+$0x0] =	vst.idx.add.f32.msk vm3, v1  }
0xcb: {  	[tilespmem:v2+s30+$0x0] =	vst.idx.add.f32.msk vm4, v1  }
0xcc: {  	[tilespmem:v2+s30+$0x0] =	vst.idx.add.f32.msk vm5, v1  }
0xcd: {  	[tilespmem:v2+s30+$0x0] =	vst.idx.add.f32.msk vm6, v1  }
0xce: {  	[tilespmem:v2+s30+$0x0] =	vst.idx.add.f32.msk vm7, v1  }
0xcf: {  	[tilespmem:v2+s30+$0x0] =	vst.idx.add.f32.msk vm8, v1  }
0xd0: {  	[tilespmem:v2+s30+$0x0] =	vst.idx.add.f32.msk vm9, v1  }
0xd1: {  	[tilespmem:v2+s30+$0x0] =	vst.idx.add.f32.msk vm10, v1  }
0xd2: {  	[tilespmem:v2+s30+$0x0] =	vst.idx.add.f32.msk vm11, v1  }
0xd3: {  	[tilespmem:v2+s30+$0x0] =	vst.idx.add.f32.msk vm12, v1  }
0xd4: {  	[tilespmem:v2+s30+$0x0] =	vst.idx.add.f32.msk vm13, v1  }
0xd5: {  	[tilespmem:v2+s30+$0x0] =	vst.idx.add.f32.msk vm14, v1  }
0xd6: {  	v2 =	vld [tilespmem:s20+$0x840];
	_ =	sdelay $0x7  }
0xd7: {  	[tilespmem:v2+s30+$0x0] =	vst.idx.add.f32.msk $0x1, v1  }
0xd8: {  	[tilespmem:v2+s30+$0x0] =	vst.idx.add.f32.msk vm0, v1  }
0xd9: {  	[tilespmem:v2+s30+$0x0] =	vst.idx.add.f32.msk vm1, v1  }
0xda: {  	[tilespmem:v2+s30+$0x0] =	vst.idx.add.f32.msk vm2, v1  }
0xdb: {  	[tilespmem:v2+s30+$0x0] =	vst.idx.add.f32.msk vm3, v1  }
0xdc: {  	[tilespmem:v2+s30+$0x0] =	vst.idx.add.f32.msk vm4, v1  }
0xdd: {  	[tilespmem:v2+s30+$0x0] =	vst.idx.add.f32.msk vm5, v1  }
0xde: {  	[tilespmem:v2+s30+$0x0] =	vst.idx.add.f32.msk vm6, v1  }
0xdf: {  	[tilespmem:v2+s30+$0x0] =	vst.idx.add.f32.msk vm7, v1  }
0xe0: {  	[tilespmem:v2+s30+$0x0] =	vst.idx.add.f32.msk vm8, v1  }
0xe1: {  	[tilespmem:v2+s30+$0x0] =	vst.idx.add.f32.msk vm9, v1  }
0xe2: {  	[tilespmem:v2+s30+$0x0] =	vst.idx.add.f32.msk vm10, v1  }
0xe3: {  	[tilespmem:v2+s30+$0x0] =	vst.idx.add.f32.msk vm11, v1  }
0xe4: {  	[tilespmem:v2+s30+$0x0] =	vst.idx.add.f32.msk vm12, v1  }
0xe5: {  	[tilespmem:v2+s30+$0x0] =	vst.idx.add.f32.msk vm13, v1  }
0xe6: {  	[tilespmem:v2+s30+$0x0] =	vst.idx.add.f32.msk vm14, v1  }
0xe7: {  	v2 =	vld [tilespmem:s20+$0x850];
	_ =	sdelay $0x7  }
0xe8: {  	[tilespmem:v2+s30+$0x0] =	vst.idx.add.f32.msk $0x1, v1  }
0xe9: {  	[tilespmem:v2+s30+$0x0] =	vst.idx.add.f32.msk vm0, v1  }
0xea: {  	[tilespmem:v2+s30+$0x0] =	vst.idx.add.f32.msk vm1, v1  }
0xeb: {  	[tilespmem:v2+s30+$0x0] =	vst.idx.add.f32.msk vm2, v1  }
0xec: {  	[tilespmem:v2+s30+$0x0] =	vst.idx.add.f32.msk vm3, v1  }
0xed: {  	[tilespmem:v2+s30+$0x0] =	vst.idx.add.f32.msk vm4, v1  }
0xee: {  	[tilespmem:v2+s30+$0x0] =	vst.idx.add.f32.msk vm5, v1  }
0xef: {  	[tilespmem:v2+s30+$0x0] =	vst.idx.add.f32.msk vm6, v1  }
0xf0: {  	[tilespmem:v2+s30+$0x0] =	vst.idx.add.f32.msk vm7, v1  }
0xf1: {  	[tilespmem:v2+s30+$0x0] =	vst.idx.add.f32.msk vm8, v1  }
0xf2: {  	[tilespmem:v2+s30+$0x0] =	vst.idx.add.f32.msk vm9, v1  }
0xf3: {  	[tilespmem:v2+s30+$0x0] =	vst.idx.add.f32.msk vm10, v1  }
0xf4: {  	[tilespmem:v2+s30+$0x0] =	vst.idx.add.f32.msk vm11, v1  }
0xf5: {  	[tilespmem:v2+s30+$0x0] =	vst.idx.add.f32.msk vm12, v1  }
0xf6: {  	[tilespmem:v2+s30+$0x0] =	vst.idx.add.f32.msk vm13, v1  }
0xf7: {  	[tilespmem:v2+s30+$0x0] =	vst.idx.add.f32.msk vm14, v1  }
0xf8: {  	v2 =	vld [tilespmem:s20+$0x860];
	_ =	sdelay $0x7  }
0xf9: {  	[tilespmem:v2+s30+$0x0] =	vst.idx.add.f32.msk $0x1, v1  }
0xfa: {  	[tilespmem:v2+s30+$0x0] =	vst.idx.add.f32.msk vm0, v1  }
0xfb: {  	[tilespmem:v2+s30+$0x0] =	vst.idx.add.f32.msk vm1, v1  }
0xfc: {  	[tilespmem:v2+s30+$0x0] =	vst.idx.add.f32.msk vm2, v1  }
0xfd: {  	[tilespmem:v2+s30+$0x0] =	vst.idx.add.f32.msk vm3, v1  }
0xfe: {  	[tilespmem:v2+s30+$0x0] =	vst.idx.add.f32.msk vm4, v1  }
0xff: {  	[tilespmem:v2+s30+$0x0] =	vst.idx.add.f32.msk vm5, v1  }
0x100: {  	[tilespmem:v2+s30+$0x0] =	vst.idx.add.f32.msk vm6, v1  }
0x101: {  	[tilespmem:v2+s30+$0x0] =	vst.idx.add.f32.msk vm7, v1  }
0x102: {  	[tilespmem:v2+s30+$0x0] =	vst.idx.add.f32.msk vm8, v1  }
0x103: {  	[tilespmem:v2+s30+$0x0] =	vst.idx.add.f32.msk vm9, v1  }
0x104: {  	[tilespmem:v2+s30+$0x0] =	vst.idx.add.f32.msk vm10, v1  }
0x105: {  	[tilespmem:v2+s30+$0x0] =	vst.idx.add.f32.msk vm11, v1  }
0x106: {  	[tilespmem:v2+s30+$0x0] =	vst.idx.add.f32.msk vm12, v1  }
0x107: {  	[tilespmem:v2+s30+$0x0] =	vst.idx.add.f32.msk vm13, v1  }
0x108: {  	[tilespmem:v2+s30+$0x0] =	vst.idx.add.f32.msk vm14, v1  }
0x109: {  	v2 =	vld [tilespmem:s20+$0x870];
	_ =	sdelay $0x7  }
0x10a: {  	[tilespmem:v2+s30+$0x0] =	vst.idx.add.f32.msk $0x1, v1  }
0x10b: {  	[tilespmem:v2+s30+$0x0] =	vst.idx.add.f32.msk vm0, v1  }
0x10c: {  	[tilespmem:v2+s30+$0x0] =	vst.idx.add.f32.msk vm1, v1  }
0x10d: {  	[tilespmem:v2+s30+$0x0] =	vst.idx.add.f32.msk vm2, v1  }
0x10e: {  	[tilespmem:v2+s30+$0x0] =	vst.idx.add.f32.msk vm3, v1  }
0x10f: {  	[tilespmem:v2+s30+$0x0] =	vst.idx.add.f32.msk vm4, v1  }
0x110: {  	[tilespmem:v2+s30+$0x0] =	vst.idx.add.f32.msk vm5, v1  }
0x111: {  	[tilespmem:v2+s30+$0x0] =	vst.idx.add.f32.msk vm6, v1  }
0x112: {  	[tilespmem:v2+s30+$0x0] =	vst.idx.add.f32.msk vm7, v1  }
0x113: {  	[tilespmem:v2+s30+$0x0] =	vst.idx.add.f32.msk vm8, v1  }
0x114: {  	[tilespmem:v2+s30+$0x0] =	vst.idx.add.f32.msk vm9, v1  }
0x115: {  	[tilespmem:v2+s30+$0x0] =	vst.idx.add.f32.msk vm10, v1  }
0x116: {  	[tilespmem:v2+s30+$0x0] =	vst.idx.add.f32.msk vm11, v1  }
0x117: {  	[tilespmem:v2+s30+$0x0] =	vst.idx.add.f32.msk vm12, v1  }
0x118: {  	[tilespmem:v2+s30+$0x0] =	vst.idx.add.f32.msk vm13, v1  }
0x119: {  	[tilespmem:v2+s30+$0x0] =	vst.idx.add.f32.msk vm14, v1  }
0x11a: {  	p1 =	sne.s32 @!p0 s19, $0x0;
	_ =	swait.ge [sflag:s31], $0x4000  }
0x11b: {  	p1 =	por p1, p0;
	[sflag:s31] =	ssyncset.done $0x0  }
0x11c: {  	s25 =	simm.s32 @!p1 $0x0;
	s21 =	simm.s32 @!p1 $0x1000;
	[sflag:s31] =	ssyncadd.s32 $0xFFFFC000  }
0x11d: {  	[tilespmem:s21], [sflag:$0x5] =	stream.linear.gather @!p1 [hbm4b:s18+s25], $0x80, $0x38;
	[tilespmem:$0x1F480] =	vst v63  }
0x11e: {  	s21 =	simm.s32 @!p1 $0x5  }
0x11f: {  	_ =	swait.ge @!p1 [sflag:s21], $0x80  }
0x120: {  	[sflag:s21] =	ssyncset.done @!p1 $0x0  }
0x121: {  	s25 =	sadd.s32 $0x800, s20;
	[sflag:s21] =	ssyncadd.s32 @!p1 $0xFFFFFF80  }
0x122: {  	[spmem:s3] =	stream.indirect.scatter.add.f32 [tilespmem:s23], [sflag:$0x3], $0x80, s25, s26, $0xb8;
	[tilespmem:$0x1F480] =	vst v63  }
0x123: {  	v2 =	vld [tilespmem:s20+$0x880];
	_ =	sdelay $0x7  }
0x124: {  	[tilespmem:v2+s30+$0x0] =	vst.idx.add.f32.msk $0x1, v1  }
0x125: {  	[tilespmem:v2+s30+$0x0] =	vst.idx.add.f32.msk vm0, v1  }
0x126: {  	[tilespmem:v2+s30+$0x0] =	vst.idx.add.f32.msk vm1, v1  }
0x127: {  	[tilespmem:v2+s30+$0x0] =	vst.idx.add.f32.msk vm2, v1  }
0x128: {  	[tilespmem:v2+s30+$0x0] =	vst.idx.add.f32.msk vm3, v1  }
0x129: {  	[tilespmem:v2+s30+$0x0] =	vst.idx.add.f32.msk vm4, v1  }
0x12a: {  	[tilespmem:v2+s30+$0x0] =	vst.idx.add.f32.msk vm5, v1  }
0x12b: {  	[tilespmem:v2+s30+$0x0] =	vst.idx.add.f32.msk vm6, v1  }
0x12c: {  	[tilespmem:v2+s30+$0x0] =	vst.idx.add.f32.msk vm7, v1  }
0x12d: {  	[tilespmem:v2+s30+$0x0] =	vst.idx.add.f32.msk vm8, v1  }
0x12e: {  	[tilespmem:v2+s30+$0x0] =	vst.idx.add.f32.msk vm9, v1  }
0x12f: {  	[tilespmem:v2+s30+$0x0] =	vst.idx.add.f32.msk vm10, v1  }
0x130: {  	[tilespmem:v2+s30+$0x0] =	vst.idx.add.f32.msk vm11, v1  }
0x131: {  	[tilespmem:v2+s30+$0x0] =	vst.idx.add.f32.msk vm12, v1  }
0x132: {  	[tilespmem:v2+s30+$0x0] =	vst.idx.add.f32.msk vm13, v1  }
0x133: {  	[tilespmem:v2+s30+$0x0] =	vst.idx.add.f32.msk vm14, v1  }
0x134: {  	v2 =	vld [tilespmem:s20+$0x890];
	_ =	sdelay $0x7  }
0x135: {  	[tilespmem:v2+s30+$0x0] =	vst.idx.add.f32.msk $0x1, v1  }
0x136: {  	[tilespmem:v2+s30+$0x0] =	vst.idx.add.f32.msk vm0, v1  }
0x137: {  	[tilespmem:v2+s30+$0x0] =	vst.idx.add.f32.msk vm1, v1  }
0x138: {  	[tilespmem:v2+s30+$0x0] =	vst.idx.add.f32.msk vm2, v1  }
0x139: {  	[tilespmem:v2+s30+$0x0] =	vst.idx.add.f32.msk vm3, v1  }
0x13a: {  	[tilespmem:v2+s30+$0x0] =	vst.idx.add.f32.msk vm4, v1  }
0x13b: {  	[tilespmem:v2+s30+$0x0] =	vst.idx.add.f32.msk vm5, v1  }
0x13c: {  	[tilespmem:v2+s30+$0x0] =	vst.idx.add.f32.msk vm6, v1  }
0x13d: {  	[tilespmem:v2+s30+$0x0] =	vst.idx.add.f32.msk vm7, v1  }
0x13e: {  	[tilespmem:v2+s30+$0x0] =	vst.idx.add.f32.msk vm8, v1  }
0x13f: {  	[tilespmem:v2+s30+$0x0] =	vst.idx.add.f32.msk vm9, v1  }
0x140: {  	[tilespmem:v2+s30+$0x0] =	vst.idx.add.f32.msk vm10, v1  }
0x141: {  	[tilespmem:v2+s30+$0x0] =	vst.idx.add.f32.msk vm11, v1  }
0x142: {  	[tilespmem:v2+s30+$0x0] =	vst.idx.add.f32.msk vm12, v1  }
0x143: {  	[tilespmem:v2+s30+$0x0] =	vst.idx.add.f32.msk vm13, v1  }
0x144: {  	[tilespmem:v2+s30+$0x0] =	vst.idx.add.f32.msk vm14, v1  }
0x145: {  	v2 =	vld [tilespmem:s20+$0x8A0];
	_ =	sdelay $0x7  }
0x146: {  	[tilespmem:v2+s30+$0x0] =	vst.idx.add.f32.msk $0x1, v1  }
0x147: {  	[tilespmem:v2+s30+$0x0] =	vst.idx.add.f32.msk vm0, v1  }
0x148: {  	[tilespmem:v2+s30+$0x0] =	vst.idx.add.f32.msk vm1, v1  }
0x149: {  	[tilespmem:v2+s30+$0x0] =	vst.idx.add.f32.msk vm2, v1  }
0x14a: {  	[tilespmem:v2+s30+$0x0] =	vst.idx.add.f32.msk vm3, v1  }
0x14b: {  	[tilespmem:v2+s30+$0x0] =	vst.idx.add.f32.msk vm4, v1  }
0x14c: {  	[tilespmem:v2+s30+$0x0] =	vst.idx.add.f32.msk vm5, v1  }
0x14d: {  	[tilespmem:v2+s30+$0x0] =	vst.idx.add.f32.msk vm6, v1  }
0x14e: {  	[tilespmem:v2+s30+$0x0] =	vst.idx.add.f32.msk vm7, v1  }
0x14f: {  	[tilespmem:v2+s30+$0x0] =	vst.idx.add.f32.msk vm8, v1  }
0x150: {  	[tilespmem:v2+s30+$0x0] =	vst.idx.add.f32.msk vm9, v1  }
0x151: {  	[tilespmem:v2+s30+$0x0] =	vst.idx.add.f32.msk vm10, v1  }
0x152: {  	[tilespmem:v2+s30+$0x0] =	vst.idx.add.f32.msk vm11, v1  }
0x153: {  	[tilespmem:v2+s30+$0x0] =	vst.idx.add.f32.msk vm12, v1  }
0x154: {  	[tilespmem:v2+s30+$0x0] =	vst.idx.add.f32.msk vm13, v1  }
0x155: {  	[tilespmem:v2+s30+$0x0] =	vst.idx.add.f32.msk vm14, v1  }
0x156: {  	v2 =	vld [tilespmem:s20+$0x8B0];
	_ =	sdelay $0x7  }
0x157: {  	[tilespmem:v2+s30+$0x0] =	vst.idx.add.f32.msk $0x1, v1  }
0x158: {  	[tilespmem:v2+s30+$0x0] =	vst.idx.add.f32.msk vm0, v1  }
0x159: {  	[tilespmem:v2+s30+$0x0] =	vst.idx.add.f32.msk vm1, v1  }
0x15a: {  	[tilespmem:v2+s30+$0x0] =	vst.idx.add.f32.msk vm2, v1  }
0x15b: {  	[tilespmem:v2+s30+$0x0] =	vst.idx.add.f32.msk vm3, v1  }
0x15c: {  	[tilespmem:v2+s30+$0x0] =	vst.idx.add.f32.msk vm4, v1  }
0x15d: {  	[tilespmem:v2+s30+$0x0] =	vst.idx.add.f32.msk vm5, v1  }
0x15e: {  	[tilespmem:v2+s30+$0x0] =	vst.idx.add.f32.msk vm6, v1  }
0x15f: {  	[tilespmem:v2+s30+$0x0] =	vst.idx.add.f32.msk vm7, v1  }
0x160: {  	[tilespmem:v2+s30+$0x0] =	vst.idx.add.f32.msk vm8, v1  }
0x161: {  	[tilespmem:v2+s30+$0x0] =	vst.idx.add.f32.msk vm9, v1  }
0x162: {  	[tilespmem:v2+s30+$0x0] =	vst.idx.add.f32.msk vm10, v1  }
0x163: {  	[tilespmem:v2+s30+$0x0] =	vst.idx.add.f32.msk vm11, v1  }
0x164: {  	[tilespmem:v2+s30+$0x0] =	vst.idx.add.f32.msk vm12, v1  }
0x165: {  	[tilespmem:v2+s30+$0x0] =	vst.idx.add.f32.msk vm13, v1  }
0x166: {  	[tilespmem:v2+s30+$0x0] =	vst.idx.add.f32.msk vm14, v1  }
0x167: {  	v2 =	vld [tilespmem:s20+$0x8C0];
	_ =	sdelay $0x7  }
0x168: {  	[tilespmem:v2+s30+$0x0] =	vst.idx.add.f32.msk $0x1, v1  }
0x169: {  	[tilespmem:v2+s30+$0x0] =	vst.idx.add.f32.msk vm0, v1  }
0x16a: {  	[tilespmem:v2+s30+$0x0] =	vst.idx.add.f32.msk vm1, v1  }
0x16b: {  	[tilespmem:v2+s30+$0x0] =	vst.idx.add.f32.msk vm2, v1  }
0x16c: {  	[tilespmem:v2+s30+$0x0] =	vst.idx.add.f32.msk vm3, v1  }
0x16d: {  	[tilespmem:v2+s30+$0x0] =	vst.idx.add.f32.msk vm4, v1  }
0x16e: {  	[tilespmem:v2+s30+$0x0] =	vst.idx.add.f32.msk vm5, v1  }
0x16f: {  	[tilespmem:v2+s30+$0x0] =	vst.idx.add.f32.msk vm6, v1  }
0x170: {  	[tilespmem:v2+s30+$0x0] =	vst.idx.add.f32.msk vm7, v1  }
0x171: {  	[tilespmem:v2+s30+$0x0] =	vst.idx.add.f32.msk vm8, v1  }
0x172: {  	[tilespmem:v2+s30+$0x0] =	vst.idx.add.f32.msk vm9, v1  }
0x173: {  	[tilespmem:v2+s30+$0x0] =	vst.idx.add.f32.msk vm10, v1  }
0x174: {  	[tilespmem:v2+s30+$0x0] =	vst.idx.add.f32.msk vm11, v1  }
0x175: {  	[tilespmem:v2+s30+$0x0] =	vst.idx.add.f32.msk vm12, v1  }
0x176: {  	[tilespmem:v2+s30+$0x0] =	vst.idx.add.f32.msk vm13, v1  }
0x177: {  	[tilespmem:v2+s30+$0x0] =	vst.idx.add.f32.msk vm14, v1  }
0x178: {  	v2 =	vld [tilespmem:s20+$0x8D0];
	_ =	sdelay $0x7  }
0x179: {  	[tilespmem:v2+s30+$0x0] =	vst.idx.add.f32.msk $0x1, v1  }
0x17a: {  	[tilespmem:v2+s30+$0x0] =	vst.idx.add.f32.msk vm0, v1  }
0x17b: {  	[tilespmem:v2+s30+$0x0] =	vst.idx.add.f32.msk vm1, v1  }
0x17c: {  	[tilespmem:v2+s30+$0x0] =	vst.idx.add.f32.msk vm2, v1  }
0x17d: {  	[tilespmem:v2+s30+$0x0] =	vst.idx.add.f32.msk vm3, v1  }
0x17e: {  	[tilespmem:v2+s30+$0x0] =	vst.idx.add.f32.msk vm4, v1  }
0x17f: {  	[tilespmem:v2+s30+$0x0] =	vst.idx.add.f32.msk vm5, v1  }
0x180: {  	[tilespmem:v2+s30+$0x0] =	vst.idx.add.f32.msk vm6, v1  }
0x181: {  	[tilespmem:v2+s30+$0x0] =	vst.idx.add.f32.msk vm7, v1  }
0x182: {  	[tilespmem:v2+s30+$0x0] =	vst.idx.add.f32.msk vm8, v1  }
0x183: {  	[tilespmem:v2+s30+$0x0] =	vst.idx.add.f32.msk vm9, v1  }
0x184: {  	[tilespmem:v2+s30+$0x0] =	vst.idx.add.f32.msk vm10, v1  }
0x185: {  	[tilespmem:v2+s30+$0x0] =	vst.idx.add.f32.msk vm11, v1  }
0x186: {  	[tilespmem:v2+s30+$0x0] =	vst.idx.add.f32.msk vm12, v1  }
0x187: {  	[tilespmem:v2+s30+$0x0] =	vst.idx.add.f32.msk vm13, v1  }
0x188: {  	[tilespmem:v2+s30+$0x0] =	vst.idx.add.f32.msk vm14, v1  }
0x189: {  	v2 =	vld [tilespmem:s20+$0x8E0];
	_ =	sdelay $0x7  }
0x18a: {  	[tilespmem:v2+s30+$0x0] =	vst.idx.add.f32.msk $0x1, v1  }
0x18b: {  	[tilespmem:v2+s30+$0x0] =	vst.idx.add.f32.msk vm0, v1  }
0x18c: {  	[tilespmem:v2+s30+$0x0] =	vst.idx.add.f32.msk vm1, v1  }
0x18d: {  	[tilespmem:v2+s30+$0x0] =	vst.idx.add.f32.msk vm2, v1  }
0x18e: {  	[tilespmem:v2+s30+$0x0] =	vst.idx.add.f32.msk vm3, v1  }
0x18f: {  	[tilespmem:v2+s30+$0x0] =	vst.idx.add.f32.msk vm4, v1  }
0x190: {  	[tilespmem:v2+s30+$0x0] =	vst.idx.add.f32.msk vm5, v1  }
0x191: {  	[tilespmem:v2+s30+$0x0] =	vst.idx.add.f32.msk vm6, v1  }
0x192: {  	[tilespmem:v2+s30+$0x0] =	vst.idx.add.f32.msk vm7, v1  }
0x193: {  	[tilespmem:v2+s30+$0x0] =	vst.idx.add.f32.msk vm8, v1  }
0x194: {  	[tilespmem:v2+s30+$0x0] =	vst.idx.add.f32.msk vm9, v1  }
0x195: {  	[tilespmem:v2+s30+$0x0] =	vst.idx.add.f32.msk vm10, v1  }
0x196: {  	[tilespmem:v2+s30+$0x0] =	vst.idx.add.f32.msk vm11, v1  }
0x197: {  	[tilespmem:v2+s30+$0x0] =	vst.idx.add.f32.msk vm12, v1  }
0x198: {  	[tilespmem:v2+s30+$0x0] =	vst.idx.add.f32.msk vm13, v1  }
0x199: {  	[tilespmem:v2+s30+$0x0] =	vst.idx.add.f32.msk vm14, v1  }
0x19a: {  	v2 =	vld [tilespmem:s20+$0x8F0];
	_ =	sdelay $0x7  }
0x19b: {  	[tilespmem:v2+s30+$0x0] =	vst.idx.add.f32.msk $0x1, v1  }
0x19c: {  	[tilespmem:v2+s30+$0x0] =	vst.idx.add.f32.msk vm0, v1  }
0x19d: {  	[tilespmem:v2+s30+$0x0] =	vst.idx.add.f32.msk vm1, v1  }
0x19e: {  	[tilespmem:v2+s30+$0x0] =	vst.idx.add.f32.msk vm2, v1  }
0x19f: {  	[tilespmem:v2+s30+$0x0] =	vst.idx.add.f32.msk vm3, v1  }
0x1a0: {  	[tilespmem:v2+s30+$0x0] =	vst.idx.add.f32.msk vm4, v1  }
0x1a1: {  	[tilespmem:v2+s30+$0x0] =	vst.idx.add.f32.msk vm5, v1  }
0x1a2: {  	[tilespmem:v2+s30+$0x0] =	vst.idx.add.f32.msk vm6, v1  }
0x1a3: {  	[tilespmem:v2+s30+$0x0] =	vst.idx.add.f32.msk vm7, v1  }
0x1a4: {  	[tilespmem:v2+s30+$0x0] =	vst.idx.add.f32.msk vm8, v1  }
0x1a5: {  	[tilespmem:v2+s30+$0x0] =	vst.idx.add.f32.msk vm9, v1  }
0x1a6: {  	[tilespmem:v2+s30+$0x0] =	vst.idx.add.f32.msk vm10, v1  }
0x1a7: {  	[tilespmem:v2+s30+$0x0] =	vst.idx.add.f32.msk vm11, v1  }
0x1a8: {  	p1 =	seq.s32 s19, $0x1C00;
	[tilespmem:v2+s30+$0x0] =	vst.idx.add.f32.msk vm12, v1  }
.Ltmp7:
0x1a9: {  	[tilespmem:v2+s30+$0x0] =	vst.idx.add.f32.msk vm13, v1;
	(pc) =	sbr.rel @!p1 .LBB2_6-.Ltmp7, $4  }
0x1aa: {  	[tilespmem:v2+s30+$0x0] =	vst.idx.add.f32.msk vm14, v1  }
0x1ab: {  	_ =	swait.ge [sflag:s0], $0x4000  }
0x1ac: {  	[sflag:s0] =	ssyncset.done $0x0  }
0x1ad: {  	[sflag:s0] =	ssyncadd.s32 $0xFFFFC000  }
.Ltmp8:
0x1ae: {  	(pc) =	sbr.rel @p0 .LBB2_9-.Ltmp8, $4  }
.Ltmp9:
0x1af: {  	(pc) =	sbr.rel @!p0 .LBB2_8-.Ltmp9, $4  }
0x1b0: {  	_ = 	snop  }
0x1b1: {  	_ = 	snop  }
0x1b2: {  	s25 =	simm.s32 $0x1000  }
0x1b3: {  	_ = 	snop  }
.LBB2_12:
0x1b4: {  	_ =	sfence.sel $0x180000  }
0x1b5: {  	[bflag:$0x0] =	sbarrier.arrive $0xFFFF  }
0x1b6: {  	_ =	strace $0x90000047  }
0x1b7: {  	s0 =	stileid.u32;
	[bflag:$0x2] =	sbarrier.arrive $0xFFFF  }
0x1b8: {  	p0 =	sne.s32 s0, $0x0;
	s0 =	rddreg [dreg:$0x3]  }
0x1b9: {  	s0 =	sadd.s32 @!p0 $0x100000, s0  }
0x1ba: {  	[sflag:s0] =	ssyncadd.tile.s32 @!p0 $0x1;
	_ =	shalt  }
.Lfunc_end2:
_tile_overlayer_lowered:
.L_overlay_start_2:
0x1bb: {  	(tag) =	ssettag $0x2  }
0x1bc: {  	s0 =	rddreg [dreg:$0x0];
	s2 =	stileid.u32  }
0x1bd: {  	s1 =	rddreg [dreg:$0x1];
	p0 =	sne.s32 s2, $0x0  }
0x1be: {  	s3 =	rddreg [dreg:$0x2];
	[bflag:$0x3] =	sbarrier.arrive $0xFFFF;
	s2 =	simm.s32 @!p0 $0x1C05  }
0x1bf: {  	[timem:s3], [sflag:s2] =	dma.local @!p0 [hbm:s0], s1  }
0x1c0: {  	s0 =	simm.s32 @!p0 $0x5  }
0x1c1: {  	_ =	swait.ge @!p0 [sflag:s0], s1  }
0x1c2: {  	s1 =	ssub.s32 @!p0 $0x0, s1;
	[sflag:s0] =	ssyncset.done @!p0 $0x0  }
0x1c3: {  	[sflag:s0] =	ssyncadd.s32 @!p0 s1  }
0x1c4: {  	[bflag:$0x3] =	sbarrier.arrive $0xFFFF  }
0x1c5: {  	_ =	shalt  }

</sc_bundles>
